<compile_context>
chip_gen: v7x
topology: tpu7x:2x2x1
jax: 0.10.2.dev20260603
libtpu: 0.0.44.dev20260713+nightly
codegen_flags: <defaults>
</compile_context>

<pallas_src>
import functools

import jax
import jax.numpy as jnp
from jax import lax
from jax.experimental import pallas as pl
from jax.experimental.pallas import tpu as pltpu
from jax.experimental.pallas import tpu_sc as plsc

BATCH = 128
VOCAB = 100000
BLK = 16384
NBLK = (VOCAB + BLK - 1) // BLK

_NW = 8
_RPW = BATCH // _NW


def _stage_body(tgt_sref, *refs):
    in_refs = refs[:32]
    w_ref = refs[32]
    r8 = lax.broadcasted_iota(jnp.int32, (8, 128), 0)
    rows = []
    for k in range(32):
        sel = jnp.where(r8 == (k % 8), in_refs[k][...], 0.0)
        rows.append(jnp.sum(sel, axis=0))
    w_ref[...] = jnp.concatenate(rows, axis=0)


def _stage_call(targets, input):
    def mk_map(k):
        return lambda g, s: ((32 * g + k) // 8, s[32 * g + k] // 128)

    grid_spec = pltpu.PrefetchScalarGridSpec(
        num_scalar_prefetch=1,
        grid=(BATCH // 32,),
        in_specs=[pl.BlockSpec((8, 128), mk_map(k)) for k in range(32)],
        out_specs=pl.BlockSpec((4096,), lambda g, s: (g,)),
    )
    return pl.pallas_call(
        _stage_body,
        grid_spec=grid_spec,
        out_shape=jax.ShapeDtypeStruct((BATCH * 128,), jnp.float32),
        compiler_params=pltpu.CompilerParams(
            dimension_semantics=("arbitrary",)
        ),
    )(targets, *([input] * 32))


def _gather_body(w_hbm, tgt_hbm, out_hbm, tgt_v, idx_v, val_v, sem):
    wid = lax.axis_index("s") * 2 + lax.axis_index("c")

    @pl.when(wid == 0)
    def _():
        pltpu.sync_copy(tgt_hbm, tgt_v)
        for c in range(BATCH // 16):
            tv = tgt_v[pl.ds(c * 16, 16)]
            rows = (lax.iota(jnp.int32, 16) + (c * 16)) * 128
            idx_v[pl.ds(c * 16, 16)] = (tv & 127) + rows
        pltpu.async_copy(w_hbm.at[idx_v], val_v, sem).wait()
        pltpu.sync_copy(val_v, out_hbm)


def _gather_t(flat_input, targets):
    mesh = plsc.VectorSubcoreMesh(core_axis_name="c", subcore_axis_name="s")
    fn = functools.partial(
        pl.kernel,
        mesh=mesh,
        out_type=jax.ShapeDtypeStruct((BATCH,), jnp.float32),
        scratch_types=[
            pltpu.VMEM((BATCH,), jnp.int32),
            pltpu.VMEM((BATCH,), jnp.int32),
            pltpu.VMEM((BATCH,), jnp.float32),
            pltpu.SemaphoreType.DMA,
        ],
    )(_gather_body)
    return fn(flat_input, targets)


def _count_body(in_ref, t_ref, tgt_ref, out_ref, cnt_scr):
    pid = pl.program_id(0)
    v = in_ref[...]
    t = t_ref[...]
    tg = tgt_ref[...]
    coli = lax.broadcasted_iota(jnp.int32, (BATCH, BLK), 1)
    rel = tg - pid * BLK
    gt_f = jnp.where(v > t, 1.0, 0.0)
    bound = jnp.minimum(rel, VOCAB - pid * BLK)
    eq_f = jnp.where(v == t, 1.0, 0.0) * jnp.where(coli < bound, 1.0, 0.0)
    gtv = jnp.where(coli < (VOCAB - pid * BLK), gt_f, 0.0)
    inc = jnp.sum(gtv + eq_f, axis=1, keepdims=True)

    @pl.when(pid == 0)
    def _():
        cnt_scr[...] = inc

    @pl.when(pid != 0)
    def _():
        cnt_scr[...] = cnt_scr[...] + inc

    @pl.when(pid == NBLK - 1)
    def _():
        cnt = cnt_scr[...]
        h1 = jnp.where(cnt < 1.0, 1.0, 0.0)
        h5 = jnp.where(cnt < 5.0, 1.0, 0.0)
        s1 = jnp.sum(h1) * (1.0 / BATCH)
        s5 = jnp.sum(h5) * (1.0 / BATCH)
        r = lax.broadcasted_iota(jnp.int32, (8, 128), 0)
        c = lax.broadcasted_iota(jnp.int32, (8, 128), 1)
        out_ref[...] = jnp.where(
            (r == 0) & (c == 0), s1, jnp.where((r == 0) & (c == 1), s5, 0.0)
        )


def _count_call(input, t2, tg2):
    return pl.pallas_call(
        _count_body,
        grid=(NBLK,),
        in_specs=[
            pl.BlockSpec((BATCH, BLK), lambda i: (0, i)),
            pl.BlockSpec((BATCH, 1), lambda i: (0, 0)),
            pl.BlockSpec((BATCH, 1), lambda i: (0, 0)),
        ],
        out_specs=pl.BlockSpec((8, 128), lambda i: (0, 0)),
        out_shape=jax.ShapeDtypeStruct((8, 128), jnp.float32),
        scratch_shapes=[pltpu.VMEM((BATCH, 1), jnp.float32)],
        compiler_params=pltpu.CompilerParams(
            dimension_semantics=("arbitrary",)
        ),
    )(input, t2, tg2)


@jax.jit
def kernel(input, targets):
    w = _stage_call(targets, input)
    t = _gather_t(w, targets)
    out = _count_call(input, t.reshape(BATCH, 1), targets.reshape(BATCH, 1))
    return out[0, :2]

# --- scband reference (transcript-rebuilt; emitter-appended) ---
"""Pipeline reference for scband-top-k-74947179316040 (READ-ONLY COPY).

The authoritative reference and input builder live on the scoring server;
editing this copy changes nothing except your own understanding.
"""

import jax, jax.numpy as jnp
import numpy as np

KS = [1, 5]
BATCH = 128
VOCAB = 100000


def setup_inputs(seed: int = 0) -> dict:
    key = jax.random.key(seed)
    k1, k2 = jax.random.split(key)
    inp = jax.random.normal(k1, (BATCH, VOCAB), dtype=jnp.float32)
    targets = jax.random.randint(k2, (BATCH,), 0, VOCAB, dtype=jnp.int32)
    return {"input": inp, "targets": targets}


def reference(input, targets):
    # Faithful translation of top_k.forward: for each k, compute top-k indices
    # along dim=1, check whether the target id appears among them for each row,
    # and take the mean hit rate over the batch.
    accs = []
    for k in KS:
        _vals, idx = jax.lax.top_k(input, k)  # idx: [B, k]
        hit = jnp.any(idx == targets[:, None], axis=1).astype(jnp.float32)  # [B]
        accs.append(jnp.mean(hit))
    return jnp.stack(accs)  # [len(KS)] top-1 and top-5 accuracy

if __name__ == "__main__":
    import jax
    _d = setup_inputs()
    print(jax.jit(kernel)(*tuple(_d.values())))

</pallas_src>

<mosaic_0001>
#map = affine_map<(d0, d1) -> (0)>
module attributes {stable_mosaic.version = 14 : i64} {
  func.func @_gather_body(%arg0: i32, %arg1: i32, %arg2: memref<16384xf32, #tpu.memory_space<hbm>>, %arg3: memref<128xi32, #tpu.memory_space<hbm>>, %arg4: memref<128xf32, #tpu.memory_space<hbm>>, %arg5: memref<128xi32, #tpu.memory_space<vmem>>, %arg6: memref<128xi32, #tpu.memory_space<vmem>>, %arg7: memref<128xf32, #tpu.memory_space<vmem>>, %arg8: memref<!tpu.dma_semaphore, #tpu.memory_space<semaphore_mem>>) attributes {dimension_semantics = [#tpu.dimension_semantics<core_parallel>, #tpu.dimension_semantics<subcore_parallel>], iteration_bounds = array<i64: 2, 16>, scalar_prefetch = 0 : i64, scratch_operands = 4 : i64, tpu.core_type = #tpu.core_type<sc_vector_subcore>, window_params = [{transform_indices = #map}, {transform_indices = #map}, {transform_indices = #map}]} {
    %mul3A = arith.constant 2 : i32
    %mul3A_0 = arith.muli %arg1, %mul3A : i32
    %add3A = arith.addi %mul3A_0, %arg0 : i32
    %eq3A = arith.constant 0 : i32
    %eq3A_1 = arith.cmpi eq, %add3A, %eq3A : i32
    %convert_element_type3A = arith.extui %eq3A_1 : i1 to i32
    %cond3A = arith.constant 0 : i32
    %cond3A_2 = arith.cmpi ne, %convert_element_type3A, %cond3A : i32
    scf.if %cond3A_2 {
      "tpu.region"() ({
        %run_scoped3A = tpu.sem_alloc : memref<!tpu.dma_semaphore, #tpu.memory_space<semaphore_mem>>
        tpu.enqueue_dma source(%arg3 : memref<128xi32, #tpu.memory_space<hbm>>) target(%arg5 : memref<128xi32, #tpu.memory_space<vmem>>) target_semaphore(%run_scoped3A : memref<!tpu.dma_semaphore, #tpu.memory_space<semaphore_mem>>)
        tpu.wait_dma2 semaphore(%run_scoped3A : memref<!tpu.dma_semaphore, #tpu.memory_space<semaphore_mem>>) src(%arg3 : memref<128xi32, #tpu.memory_space<hbm>>) dst(%arg5 : memref<128xi32, #tpu.memory_space<vmem>>)
        tpu.yield
      }) : () -> ()
      %get3A = arith.constant 0 : index
      %get3A_3 = tpu.vector_load %arg5[%get3A] {strides = array<i32>} : memref<128xi32, #tpu.memory_space<vmem>>, vector<16xi32>,
      %get3A_4 = vector.shape_cast %get3A_3 : vector<16xi32> to vector<16xi32>
      %iota3A = tpu.iota {dimensions = array<i32: 0>} : vector<16xi32>
      %add3A_5 = arith.constant 0 : i32
      %add3A_6 = vector.broadcast %add3A_5 : i32 to vector<16xi32>
      %add3A_7 = arith.addi %iota3A, %add3A_6 : vector<16xi32>
      %mul3A_8 = arith.constant 128 : i32
      %mul3A_9 = vector.broadcast %mul3A_8 : i32 to vector<16xi32>
      %mul3A_10 = arith.muli %add3A_7, %mul3A_9 : vector<16xi32>
      %and3A = arith.constant 127 : i32
      %and3A_11 = vector.broadcast %and3A : i32 to vector<16xi32>
      %and3A_12 = arith.andi %get3A_4, %and3A_11 : vector<16xi32>
      %add3A_13 = arith.addi %and3A_12, %mul3A_10 : vector<16xi32>
      %swap3A = arith.constant 0 : index
      %swap3A_14 = tpu.vector_load %arg6[%swap3A] {strides = array<i32>} : memref<128xi32, #tpu.memory_space<vmem>>, vector<16xi32>,
      %swap3A_15 = vector.shape_cast %swap3A_14 : vector<16xi32> to vector<16xi32>
      %swap3A_16 = vector.shape_cast %add3A_13 : vector<16xi32> to vector<16xi32>
      tpu.vector_store %arg6[%swap3A], %swap3A_16 {strides = array<i32>} : memref<128xi32, #tpu.memory_space<vmem>>, vector<16xi32>,
      %get3A_17 = arith.constant 16 : index
      %get3A_18 = tpu.vector_load %arg5[%get3A_17] {strides = array<i32>} : memref<128xi32, #tpu.memory_space<vmem>>, vector<16xi32>,
      %get3A_19 = vector.shape_cast %get3A_18 : vector<16xi32> to vector<16xi32>
      %iota3A_20 = tpu.iota {dimensions = array<i32: 0>} : vector<16xi32>
      %add3A_21 = arith.constant 16 : i32
      %add3A_22 = vector.broadcast %add3A_21 : i32 to vector<16xi32>
      %add3A_23 = arith.addi %iota3A_20, %add3A_22 : vector<16xi32>
      %mul3A_24 = arith.constant 128 : i32
      %mul3A_25 = vector.broadcast %mul3A_24 : i32 to vector<16xi32>
      %mul3A_26 = arith.muli %add3A_23, %mul3A_25 : vector<16xi32>
      %and3A_27 = arith.constant 127 : i32
      %and3A_28 = vector.broadcast %and3A_27 : i32 to vector<16xi32>
      %and3A_29 = arith.andi %get3A_19, %and3A_28 : vector<16xi32>
      %add3A_30 = arith.addi %and3A_29, %mul3A_26 : vector<16xi32>
      %swap3A_31 = arith.constant 16 : index
      %swap3A_32 = tpu.vector_load %arg6[%swap3A_31] {strides = array<i32>} : memref<128xi32, #tpu.memory_space<vmem>>, vector<16xi32>,
      %swap3A_33 = vector.shape_cast %swap3A_32 : vector<16xi32> to vector<16xi32>
      %swap3A_34 = vector.shape_cast %add3A_30 : vector<16xi32> to vector<16xi32>
      tpu.vector_store %arg6[%swap3A_31], %swap3A_34 {strides = array<i32>} : memref<128xi32, #tpu.memory_space<vmem>>, vector<16xi32>,
      %get3A_35 = arith.constant 32 : index
      %get3A_36 = tpu.vector_load %arg5[%get3A_35] {strides = array<i32>} : memref<128xi32, #tpu.memory_space<vmem>>, vector<16xi32>,
      %get3A_37 = vector.shape_cast %get3A_36 : vector<16xi32> to vector<16xi32>
      %iota3A_38 = tpu.iota {dimensions = array<i32: 0>} : vector<16xi32>
      %add3A_39 = arith.constant 32 : i32
      %add3A_40 = vector.broadcast %add3A_39 : i32 to vector<16xi32>
      %add3A_41 = arith.addi %iota3A_38, %add3A_40 : vector<16xi32>
      %mul3A_42 = arith.constant 128 : i32
      %mul3A_43 = vector.broadcast %mul3A_42 : i32 to vector<16xi32>
      %mul3A_44 = arith.muli %add3A_41, %mul3A_43 : vector<16xi32>
      %and3A_45 = arith.constant 127 : i32
      %and3A_46 = vector.broadcast %and3A_45 : i32 to vector<16xi32>
      %and3A_47 = arith.andi %get3A_37, %and3A_46 : vector<16xi32>
      %add3A_48 = arith.addi %and3A_47, %mul3A_44 : vector<16xi32>
      %swap3A_49 = arith.constant 32 : index
      %swap3A_50 = tpu.vector_load %arg6[%swap3A_49] {strides = array<i32>} : memref<128xi32, #tpu.memory_space<vmem>>, vector<16xi32>,
      %swap3A_51 = vector.shape_cast %swap3A_50 : vector<16xi32> to vector<16xi32>
      %swap3A_52 = vector.shape_cast %add3A_48 : vector<16xi32> to vector<16xi32>
      tpu.vector_store %arg6[%swap3A_49], %swap3A_52 {strides = array<i32>} : memref<128xi32, #tpu.memory_space<vmem>>, vector<16xi32>,
      %get3A_53 = arith.constant 48 : index
      %get3A_54 = tpu.vector_load %arg5[%get3A_53] {strides = array<i32>} : memref<128xi32, #tpu.memory_space<vmem>>, vector<16xi32>,
      %get3A_55 = vector.shape_cast %get3A_54 : vector<16xi32> to vector<16xi32>
      %iota3A_56 = tpu.iota {dimensions = array<i32: 0>} : vector<16xi32>
      %add3A_57 = arith.constant 48 : i32
      %add3A_58 = vector.broadcast %add3A_57 : i32 to vector<16xi32>
      %add3A_59 = arith.addi %iota3A_56, %add3A_58 : vector<16xi32>
      %mul3A_60 = arith.constant 128 : i32
      %mul3A_61 = vector.broadcast %mul3A_60 : i32 to vector<16xi32>
      %mul3A_62 = arith.muli %add3A_59, %mul3A_61 : vector<16xi32>
      %and3A_63 = arith.constant 127 : i32
      %and3A_64 = vector.broadcast %and3A_63 : i32 to vector<16xi32>
      %and3A_65 = arith.andi %get3A_55, %and3A_64 : vector<16xi32>
      %add3A_66 = arith.addi %and3A_65, %mul3A_62 : vector<16xi32>
      %swap3A_67 = arith.constant 48 : index
      %swap3A_68 = tpu.vector_load %arg6[%swap3A_67] {strides = array<i32>} : memref<128xi32, #tpu.memory_space<vmem>>, vector<16xi32>,
      %swap3A_69 = vector.shape_cast %swap3A_68 : vector<16xi32> to vector<16xi32>
      %swap3A_70 = vector.shape_cast %add3A_66 : vector<16xi32> to vector<16xi32>
      tpu.vector_store %arg6[%swap3A_67], %swap3A_70 {strides = array<i32>} : memref<128xi32, #tpu.memory_space<vmem>>, vector<16xi32>,
      %get3A_71 = arith.constant 64 : index
      %get3A_72 = tpu.vector_load %arg5[%get3A_71] {strides = array<i32>} : memref<128xi32, #tpu.memory_space<vmem>>, vector<16xi32>,
      %get3A_73 = vector.shape_cast %get3A_72 : vector<16xi32> to vector<16xi32>
      %iota3A_74 = tpu.iota {dimensions = array<i32: 0>} : vector<16xi32>
      %add3A_75 = arith.constant 64 : i32
      %add3A_76 = vector.broadcast %add3A_75 : i32 to vector<16xi32>
      %add3A_77 = arith.addi %iota3A_74, %add3A_76 : vector<16xi32>
      %mul3A_78 = arith.constant 128 : i32
      %mul3A_79 = vector.broadcast %mul3A_78 : i32 to vector<16xi32>
      %mul3A_80 = arith.muli %add3A_77, %mul3A_79 : vector<16xi32>
      %and3A_81 = arith.constant 127 : i32
      %and3A_82 = vector.broadcast %and3A_81 : i32 to vector<16xi32>
      %and3A_83 = arith.andi %get3A_73, %and3A_82 : vector<16xi32>
      %add3A_84 = arith.addi %and3A_83, %mul3A_80 : vector<16xi32>
      %swap3A_85 = arith.constant 64 : index
      %swap3A_86 = tpu.vector_load %arg6[%swap3A_85] {strides = array<i32>} : memref<128xi32, #tpu.memory_space<vmem>>, vector<16xi32>,
      %swap3A_87 = vector.shape_cast %swap3A_86 : vector<16xi32> to vector<16xi32>
      %swap3A_88 = vector.shape_cast %add3A_84 : vector<16xi32> to vector<16xi32>
      tpu.vector_store %arg6[%swap3A_85], %swap3A_88 {strides = array<i32>} : memref<128xi32, #tpu.memory_space<vmem>>, vector<16xi32>,
      %get3A_89 = arith.constant 80 : index
      %get3A_90 = tpu.vector_load %arg5[%get3A_89] {strides = array<i32>} : memref<128xi32, #tpu.memory_space<vmem>>, vector<16xi32>,
      %get3A_91 = vector.shape_cast %get3A_90 : vector<16xi32> to vector<16xi32>
      %iota3A_92 = tpu.iota {dimensions = array<i32: 0>} : vector<16xi32>
      %add3A_93 = arith.constant 80 : i32
      %add3A_94 = vector.broadcast %add3A_93 : i32 to vector<16xi32>
      %add3A_95 = arith.addi %iota3A_92, %add3A_94 : vector<16xi32>
      %mul3A_96 = arith.constant 128 : i32
      %mul3A_97 = vector.broadcast %mul3A_96 : i32 to vector<16xi32>
      %mul3A_98 = arith.muli %add3A_95, %mul3A_97 : vector<16xi32>
      %and3A_99 = arith.constant 127 : i32
      %and3A_100 = vector.broadcast %and3A_99 : i32 to vector<16xi32>
      %and3A_101 = arith.andi %get3A_91, %and3A_100 : vector<16xi32>
      %add3A_102 = arith.addi %and3A_101, %mul3A_98 : vector<16xi32>
      %swap3A_103 = arith.constant 80 : index
      %swap3A_104 = tpu.vector_load %arg6[%swap3A_103] {strides = array<i32>} : memref<128xi32, #tpu.memory_space<vmem>>, vector<16xi32>,
      %swap3A_105 = vector.shape_cast %swap3A_104 : vector<16xi32> to vector<16xi32>
      %swap3A_106 = vector.shape_cast %add3A_102 : vector<16xi32> to vector<16xi32>
      tpu.vector_store %arg6[%swap3A_103], %swap3A_106 {strides = array<i32>} : memref<128xi32, #tpu.memory_space<vmem>>, vector<16xi32>,
      %get3A_107 = arith.constant 96 : index
      %get3A_108 = tpu.vector_load %arg5[%get3A_107] {strides = array<i32>} : memref<128xi32, #tpu.memory_space<vmem>>, vector<16xi32>,
      %get3A_109 = vector.shape_cast %get3A_108 : vector<16xi32> to vector<16xi32>
      %iota3A_110 = tpu.iota {dimensions = array<i32: 0>} : vector<16xi32>
      %add3A_111 = arith.constant 96 : i32
      %add3A_112 = vector.broadcast %add3A_111 : i32 to vector<16xi32>
      %add3A_113 = arith.addi %iota3A_110, %add3A_112 : vector<16xi32>
      %mul3A_114 = arith.constant 128 : i32
      %mul3A_115 = vector.broadcast %mul3A_114 : i32 to vector<16xi32>
      %mul3A_116 = arith.muli %add3A_113, %mul3A_115 : vector<16xi32>
      %and3A_117 = arith.constant 127 : i32
      %and3A_118 = vector.broadcast %and3A_117 : i32 to vector<16xi32>
      %and3A_119 = arith.andi %get3A_109, %and3A_118 : vector<16xi32>
      %add3A_120 = arith.addi %and3A_119, %mul3A_116 : vector<16xi32>
      %swap3A_121 = arith.constant 96 : index
      %swap3A_122 = tpu.vector_load %arg6[%swap3A_121] {strides = array<i32>} : memref<128xi32, #tpu.memory_space<vmem>>, vector<16xi32>,
      %swap3A_123 = vector.shape_cast %swap3A_122 : vector<16xi32> to vector<16xi32>
      %swap3A_124 = vector.shape_cast %add3A_120 : vector<16xi32> to vector<16xi32>
      tpu.vector_store %arg6[%swap3A_121], %swap3A_124 {strides = array<i32>} : memref<128xi32, #tpu.memory_space<vmem>>, vector<16xi32>,
      %get3A_125 = arith.constant 112 : index
      %get3A_126 = tpu.vector_load %arg5[%get3A_125] {strides = array<i32>} : memref<128xi32, #tpu.memory_space<vmem>>, vector<16xi32>,
      %get3A_127 = vector.shape_cast %get3A_126 : vector<16xi32> to vector<16xi32>
      %iota3A_128 = tpu.iota {dimensions = array<i32: 0>} : vector<16xi32>
      %add3A_129 = arith.constant 112 : i32
      %add3A_130 = vector.broadcast %add3A_129 : i32 to vector<16xi32>
      %add3A_131 = arith.addi %iota3A_128, %add3A_130 : vector<16xi32>
      %mul3A_132 = arith.constant 128 : i32
      %mul3A_133 = vector.broadcast %mul3A_132 : i32 to vector<16xi32>
      %mul3A_134 = arith.muli %add3A_131, %mul3A_133 : vector<16xi32>
      %and3A_135 = arith.constant 127 : i32
      %and3A_136 = vector.broadcast %and3A_135 : i32 to vector<16xi32>
      %and3A_137 = arith.andi %get3A_127, %and3A_136 : vector<16xi32>
      %add3A_138 = arith.addi %and3A_137, %mul3A_134 : vector<16xi32>
      %swap3A_139 = arith.constant 112 : index
      %swap3A_140 = tpu.vector_load %arg6[%swap3A_139] {strides = array<i32>} : memref<128xi32, #tpu.memory_space<vmem>>, vector<16xi32>,
      %swap3A_141 = vector.shape_cast %swap3A_140 : vector<16xi32> to vector<16xi32>
      %swap3A_142 = vector.shape_cast %add3A_138 : vector<16xi32> to vector<16xi32>
      tpu.vector_store %arg6[%swap3A_139], %swap3A_142 {strides = array<i32>} : memref<128xi32, #tpu.memory_space<vmem>>, vector<16xi32>,
      %dma_start3A = arith.constant 0 : i32
      %dma_start3A_143 = tpu.memref_slice %arg2[%dma_start3A] : memref<16384xf32, #tpu.memory_space<hbm>> -> memref<16384xf32, #tpu.memory_space<hbm>>
      tpu.enqueue_indirect_dma source(%dma_start3A_143 : memref<16384xf32, #tpu.memory_space<hbm>>) target(%arg7 : memref<128xf32, #tpu.memory_space<vmem>>) offsets(%arg6 : memref<128xi32, #tpu.memory_space<vmem>>) semaphore(%arg8 : memref<!tpu.dma_semaphore, #tpu.memory_space<semaphore_mem>>)
      %dma_wait3A = arith.constant 0 : i32
      %dma_wait3A_144 = tpu.memref_slice %arg2[%dma_wait3A] : memref<16384xf32, #tpu.memory_space<hbm>> -> memref<16384xf32, #tpu.memory_space<hbm>>
      tpu.wait_indirect_dma semaphore(%arg8 : memref<!tpu.dma_semaphore, #tpu.memory_space<semaphore_mem>>) src(%dma_wait3A_144 : memref<16384xf32, #tpu.memory_space<hbm>>) dst(%arg7 : memref<128xf32, #tpu.memory_space<vmem>>)
      "tpu.region"() ({
        %run_scoped3A = tpu.sem_alloc : memref<!tpu.dma_semaphore, #tpu.memory_space<semaphore_mem>>
        tpu.enqueue_dma source(%arg7 : memref<128xf32, #tpu.memory_space<vmem>>) target(%arg4 : memref<128xf32, #tpu.memory_space<hbm>>) target_semaphore(%run_scoped3A : memref<!tpu.dma_semaphore, #tpu.memory_space<semaphore_mem>>)
        tpu.wait_dma2 semaphore(%run_scoped3A : memref<!tpu.dma_semaphore, #tpu.memory_space<semaphore_mem>>) src(%arg7 : memref<128xf32, #tpu.memory_space<vmem>>) dst(%arg4 : memref<128xf32, #tpu.memory_space<hbm>>)
        tpu.yield
      }) : () -> ()
    } else {
    }
    return
  }
}

module attributes {stable_mosaic.version = 14 : i64} {
  func.func @_stage_body(%arg0: i32, %arg1: memref<128xi32, #tpu.memory_space<smem>>, %arg2: memref<8x128xf32, #tpu.memory_space<vmem>>, %arg3: memref<8x128xf32, #tpu.memory_space<vmem>>, %arg4: memref<8x128xf32, #tpu.memory_space<vmem>>, %arg5: memref<8x128xf32, #tpu.memory_space<vmem>>, %arg6: memref<8x128xf32, #tpu.memory_space<vmem>>, %arg7: memref<8x128xf32, #tpu.memory_space<vmem>>, %arg8: memref<8x128xf32, #tpu.memory_space<vmem>>, %arg9: memref<8x128xf32, #tpu.memory_space<vmem>>, %arg10: memref<8x128xf32, #tpu.memory_space<vmem>>, %arg11: memref<8x128xf32, #tpu.memory_space<vmem>>, %arg12: memref<8x128xf32, #tpu.memory_space<vmem>>, %arg13: memref<8x128xf32, #tpu.memory_space<vmem>>, %arg14: memref<8x128xf32, #tpu.memory_space<vmem>>, %arg15: memref<8x128xf32, #tpu.memory_space<vmem>>, %arg16: memref<8x128xf32, #tpu.memory_space<vmem>>, %arg17: memref<8x128xf32, #tpu.memory_space<vmem>>, %arg18: memref<8x128xf32, #tpu.memory_space<vmem>>, %arg19: memref<8x128xf32, #tpu.memory_space<vmem>>, %arg20: memref<8x128xf32, #tpu.memory_space<vmem>>, %arg21: memref<8x128xf32, #tpu.memory_space<vmem>>, %arg22: memref<8x128xf32, #tpu.memory_space<vmem>>, %arg23: memref<8x128xf32, #tpu.memory_space<vmem>>, %arg24: memref<8x128xf32, #tpu.memory_space<vmem>>, %arg25: memref<8x128xf32, #tpu.memory_space<vmem>>, %arg26: memref<8x128xf32, #tpu.memory_space<vmem>>, %arg27: memref<8x128xf32, #tpu.memory_space<vmem>>, %arg28: memref<8x128xf32, #tpu.memory_space<vmem>>, %arg29: memref<8x128xf32, #tpu.memory_space<vmem>>, %arg30: memref<8x128xf32, #tpu.memory_space<vmem>>, %arg31: memref<8x128xf32, #tpu.memory_space<vmem>>, %arg32: memref<8x128xf32, #tpu.memory_space<vmem>>, %arg33: memref<8x128xf32, #tpu.memory_space<vmem>>, %arg34: memref<4096xf32, #tpu.memory_space<vmem>>) attributes {dimension_semantics = [#tpu.dimension_semantics<arbitrary>], iteration_bounds = array<i64: 4>, scalar_prefetch = 1 : i64, scratch_operands = 0 : i64, tpu.core_type = #tpu.core_type<tc>, window_params = [{transform_indices = @transform_0, window_bounds = array<i64: 8, 128>}, {transform_indices = @transform_1, window_bounds = array<i64: 8, 128>}, {transform_indices = @transform_2, window_bounds = array<i64: 8, 128>}, {transform_indices = @transform_3, window_bounds = array<i64: 8, 128>}, {transform_indices = @transform_4, window_bounds = array<i64: 8, 128>}, {transform_indices = @transform_5, window_bounds = array<i64: 8, 128>}, {transform_indices = @transform_6, window_bounds = array<i64: 8, 128>}, {transform_indices = @transform_7, window_bounds = array<i64: 8, 128>}, {transform_indices = @transform_8, window_bounds = array<i64: 8, 128>}, {transform_indices = @transform_9, window_bounds = array<i64: 8, 128>}, {transform_indices = @transform_10, window_bounds = array<i64: 8, 128>}, {transform_indices = @transform_11, window_bounds = array<i64: 8, 128>}, {transform_indices = @transform_12, window_bounds = array<i64: 8, 128>}, {transform_indices = @transform_13, window_bounds = array<i64: 8, 128>}, {transform_indices = @transform_14, window_bounds = array<i64: 8, 128>}, {transform_indices = @transform_15, window_bounds = array<i64: 8, 128>}, {transform_indices = @transform_16, window_bounds = array<i64: 8, 128>}, {transform_indices = @transform_17, window_bounds = array<i64: 8, 128>}, {transform_indices = @transform_18, window_bounds = array<i64: 8, 128>}, {transform_indices = @transform_19, window_bounds = array<i64: 8, 128>}, {transform_indices = @transform_20, window_bounds = array<i64: 8, 128>}, {transform_indices = @transform_21, window_bounds = array<i64: 8, 128>}, {transform_indices = @transform_22, window_bounds = array<i64: 8, 128>}, {transform_indices = @transform_23, window_bounds = array<i64: 8, 128>}, {transform_indices = @transform_24, window_bounds = array<i64: 8, 128>}, {transform_indices = @transform_25, window_bounds = array<i64: 8, 128>}, {transform_indices = @transform_26, window_bounds = array<i64: 8, 128>}, {transform_indices = @transform_27, window_bounds = array<i64: 8, 128>}, {transform_indices = @transform_28, window_bounds = array<i64: 8, 128>}, {transform_indices = @transform_29, window_bounds = array<i64: 8, 128>}, {transform_indices = @transform_30, window_bounds = array<i64: 8, 128>}, {transform_indices = @transform_31, window_bounds = array<i64: 8, 128>}, {transform_indices = @transform_32, window_bounds = array<i64: 4096>}]} {
    %iota3A = tpu.iota {dimensions = array<i32: 0>} : vector<8x128xi32>
    %eq3A = arith.constant 0 : i32
    %eq3A_0 = vector.broadcast %eq3A : i32 to vector<8x128xi32>
    %eq3A_1 = arith.cmpi eq, %iota3A, %eq3A_0 : vector<8x128xi32>
    %get3A = arith.constant 0 : index
    %get3A_2 = arith.constant 0 : index
    %get3A_3 = vector.load %arg2[%get3A, %get3A_2] : memref<8x128xf32, #tpu.memory_space<vmem>>, vector<8x128xf32>
    %jit3A = arith.constant 0.000000e+00 : f32
    %broadcast_in_dim3A = vector.broadcast %jit3A : f32 to vector<8x128xf32>
    %select_n3A = arith.select %eq3A_1, %get3A_3, %broadcast_in_dim3A : vector<8x128xi1>, vector<8x128xf32>
    %reduce_sum3A = arith.constant dense<0.000000e+00> : vector<128xf32>
    %reduce_sum3A_4 = vector.multi_reduction <add>, %select_n3A, %reduce_sum3A [0] : vector<8x128xf32> to vector<128xf32>
    %eq3A_5 = arith.constant 1 : i32
    %eq3A_6 = vector.broadcast %eq3A_5 : i32 to vector<8x128xi32>
    %eq3A_7 = arith.cmpi eq, %iota3A, %eq3A_6 : vector<8x128xi32>
    %get3A_8 = arith.constant 0 : index
    %get3A_9 = arith.constant 0 : index
    %get3A_10 = vector.load %arg3[%get3A_8, %get3A_9] : memref<8x128xf32, #tpu.memory_space<vmem>>, vector<8x128xf32>
    %jit3A_11 = arith.constant 0.000000e+00 : f32
    %broadcast_in_dim3A_12 = vector.broadcast %jit3A_11 : f32 to vector<8x128xf32>
    %select_n3A_13 = arith.select %eq3A_7, %get3A_10, %broadcast_in_dim3A_12 : vector<8x128xi1>, vector<8x128xf32>
    %reduce_sum3A_14 = arith.constant dense<0.000000e+00> : vector<128xf32>
    %reduce_sum3A_15 = vector.multi_reduction <add>, %select_n3A_13, %reduce_sum3A_14 [0] : vector<8x128xf32> to vector<128xf32>
    %eq3A_16 = arith.constant 2 : i32
    %eq3A_17 = vector.broadcast %eq3A_16 : i32 to vector<8x128xi32>
    %eq3A_18 = arith.cmpi eq, %iota3A, %eq3A_17 : vector<8x128xi32>
    %get3A_19 = arith.constant 0 : index
    %get3A_20 = arith.constant 0 : index
    %get3A_21 = vector.load %arg4[%get3A_19, %get3A_20] : memref<8x128xf32, #tpu.memory_space<vmem>>, vector<8x128xf32>
    %jit3A_22 = arith.constant 0.000000e+00 : f32
    %broadcast_in_dim3A_23 = vector.broadcast %jit3A_22 : f32 to vector<8x128xf32>
    %select_n3A_24 = arith.select %eq3A_18, %get3A_21, %broadcast_in_dim3A_23 : vector<8x128xi1>, vector<8x128xf32>
    %reduce_sum3A_25 = arith.constant dense<0.000000e+00> : vector<128xf32>
    %reduce_sum3A_26 = vector.multi_reduction <add>, %select_n3A_24, %reduce_sum3A_25 [0] : vector<8x128xf32> to vector<128xf32>
    %eq3A_27 = arith.constant 3 : i32
    %eq3A_28 = vector.broadcast %eq3A_27 : i32 to vector<8x128xi32>
    %eq3A_29 = arith.cmpi eq, %iota3A, %eq3A_28 : vector<8x128xi32>
    %get3A_30 = arith.constant 0 : index
    %get3A_31 = arith.constant 0 : index
    %get3A_32 = vector.load %arg5[%get3A_30, %get3A_31] : memref<8x128xf32, #tpu.memory_space<vmem>>, vector<8x128xf32>
    %jit3A_33 = arith.constant 0.000000e+00 : f32
    %broadcast_in_dim3A_34 = vector.broadcast %jit3A_33 : f32 to vector<8x128xf32>
    %select_n3A_35 = arith.select %eq3A_29, %get3A_32, %broadcast_in_dim3A_34 : vector<8x128xi1>, vector<8x128xf32>
    %reduce_sum3A_36 = arith.constant dense<0.000000e+00> : vector<128xf32>
    %reduce_sum3A_37 = vector.multi_reduction <add>, %select_n3A_35, %reduce_sum3A_36 [0] : vector<8x128xf32> to vector<128xf32>
    %eq3A_38 = arith.constant 4 : i32
    %eq3A_39 = vector.broadcast %eq3A_38 : i32 to vector<8x128xi32>
    %eq3A_40 = arith.cmpi eq, %iota3A, %eq3A_39 : vector<8x128xi32>
    %get3A_41 = arith.constant 0 : index
    %get3A_42 = arith.constant 0 : index
    %get3A_43 = vector.load %arg6[%get3A_41, %get3A_42] : memref<8x128xf32, #tpu.memory_space<vmem>>, vector<8x128xf32>
    %jit3A_44 = arith.constant 0.000000e+00 : f32
    %broadcast_in_dim3A_45 = vector.broadcast %jit3A_44 : f32 to vector<8x128xf32>
    %select_n3A_46 = arith.select %eq3A_40, %get3A_43, %broadcast_in_dim3A_45 : vector<8x128xi1>, vector<8x128xf32>
    %reduce_sum3A_47 = arith.constant dense<0.000000e+00> : vector<128xf32>
    %reduce_sum3A_48 = vector.multi_reduction <add>, %select_n3A_46, %reduce_sum3A_47 [0] : vector<8x128xf32> to vector<128xf32>
    %eq3A_49 = arith.constant 5 : i32
    %eq3A_50 = vector.broadcast %eq3A_49 : i32 to vector<8x128xi32>
    %eq3A_51 = arith.cmpi eq, %iota3A, %eq3A_50 : vector<8x128xi32>
    %get3A_52 = arith.constant 0 : index
    %get3A_53 = arith.constant 0 : index
    %get3A_54 = vector.load %arg7[%get3A_52, %get3A_53] : memref<8x128xf32, #tpu.memory_space<vmem>>, vector<8x128xf32>
    %jit3A_55 = arith.constant 0.000000e+00 : f32
    %broadcast_in_dim3A_56 = vector.broadcast %jit3A_55 : f32 to vector<8x128xf32>
    %select_n3A_57 = arith.select %eq3A_51, %get3A_54, %broadcast_in_dim3A_56 : vector<8x128xi1>, vector<8x128xf32>
    %reduce_sum3A_58 = arith.constant dense<0.000000e+00> : vector<128xf32>
    %reduce_sum3A_59 = vector.multi_reduction <add>, %select_n3A_57, %reduce_sum3A_58 [0] : vector<8x128xf32> to vector<128xf32>
    %eq3A_60 = arith.constant 6 : i32
    %eq3A_61 = vector.broadcast %eq3A_60 : i32 to vector<8x128xi32>
    %eq3A_62 = arith.cmpi eq, %iota3A, %eq3A_61 : vector<8x128xi32>
    %get3A_63 = arith.constant 0 : index
    %get3A_64 = arith.constant 0 : index
    %get3A_65 = vector.load %arg8[%get3A_63, %get3A_64] : memref<8x128xf32, #tpu.memory_space<vmem>>, vector<8x128xf32>
    %jit3A_66 = arith.constant 0.000000e+00 : f32
    %broadcast_in_dim3A_67 = vector.broadcast %jit3A_66 : f32 to vector<8x128xf32>
    %select_n3A_68 = arith.select %eq3A_62, %get3A_65, %broadcast_in_dim3A_67 : vector<8x128xi1>, vector<8x128xf32>
    %reduce_sum3A_69 = arith.constant dense<0.000000e+00> : vector<128xf32>
    %reduce_sum3A_70 = vector.multi_reduction <add>, %select_n3A_68, %reduce_sum3A_69 [0] : vector<8x128xf32> to vector<128xf32>
    %eq3A_71 = arith.constant 7 : i32
    %eq3A_72 = vector.broadcast %eq3A_71 : i32 to vector<8x128xi32>
    %eq3A_73 = arith.cmpi eq, %iota3A, %eq3A_72 : vector<8x128xi32>
    %get3A_74 = arith.constant 0 : index
    %get3A_75 = arith.constant 0 : index
    %get3A_76 = vector.load %arg9[%get3A_74, %get3A_75] : memref<8x128xf32, #tpu.memory_space<vmem>>, vector<8x128xf32>
    %jit3A_77 = arith.constant 0.000000e+00 : f32
    %broadcast_in_dim3A_78 = vector.broadcast %jit3A_77 : f32 to vector<8x128xf32>
    %select_n3A_79 = arith.select %eq3A_73, %get3A_76, %broadcast_in_dim3A_78 : vector<8x128xi1>, vector<8x128xf32>
    %reduce_sum3A_80 = arith.constant dense<0.000000e+00> : vector<128xf32>
    %reduce_sum3A_81 = vector.multi_reduction <add>, %select_n3A_79, %reduce_sum3A_80 [0] : vector<8x128xf32> to vector<128xf32>
    %eq3A_82 = arith.constant 0 : i32
    %eq3A_83 = vector.broadcast %eq3A_82 : i32 to vector<8x128xi32>
    %eq3A_84 = arith.cmpi eq, %iota3A, %eq3A_83 : vector<8x128xi32>
    %get3A_85 = arith.constant 0 : index
    %get3A_86 = arith.constant 0 : index
    %get3A_87 = vector.load %arg10[%get3A_85, %get3A_86] : memref<8x128xf32, #tpu.memory_space<vmem>>, vector<8x128xf32>
    %jit3A_88 = arith.constant 0.000000e+00 : f32
    %broadcast_in_dim3A_89 = vector.broadcast %jit3A_88 : f32 to vector<8x128xf32>
    %select_n3A_90 = arith.select %eq3A_84, %get3A_87, %broadcast_in_dim3A_89 : vector<8x128xi1>, vector<8x128xf32>
    %reduce_sum3A_91 = arith.constant dense<0.000000e+00> : vector<128xf32>
    %reduce_sum3A_92 = vector.multi_reduction <add>, %select_n3A_90, %reduce_sum3A_91 [0] : vector<8x128xf32> to vector<128xf32>
    %eq3A_93 = arith.constant 1 : i32
    %eq3A_94 = vector.broadcast %eq3A_93 : i32 to vector<8x128xi32>
    %eq3A_95 = arith.cmpi eq, %iota3A, %eq3A_94 : vector<8x128xi32>
    %get3A_96 = arith.constant 0 : index
    %get3A_97 = arith.constant 0 : index
    %get3A_98 = vector.load %arg11[%get3A_96, %get3A_97] : memref<8x128xf32, #tpu.memory_space<vmem>>, vector<8x128xf32>
    %jit3A_99 = arith.constant 0.000000e+00 : f32
    %broadcast_in_dim3A_100 = vector.broadcast %jit3A_99 : f32 to vector<8x128xf32>
    %select_n3A_101 = arith.select %eq3A_95, %get3A_98, %broadcast_in_dim3A_100 : vector<8x128xi1>, vector<8x128xf32>
    %reduce_sum3A_102 = arith.constant dense<0.000000e+00> : vector<128xf32>
    %reduce_sum3A_103 = vector.multi_reduction <add>, %select_n3A_101, %reduce_sum3A_102 [0] : vector<8x128xf32> to vector<128xf32>
    %eq3A_104 = arith.constant 2 : i32
    %eq3A_105 = vector.broadcast %eq3A_104 : i32 to vector<8x128xi32>
    %eq3A_106 = arith.cmpi eq, %iota3A, %eq3A_105 : vector<8x128xi32>
    %get3A_107 = arith.constant 0 : index
    %get3A_108 = arith.constant 0 : index
    %get3A_109 = vector.load %arg12[%get3A_107, %get3A_108] : memref<8x128xf32, #tpu.memory_space<vmem>>, vector<8x128xf32>
    %jit3A_110 = arith.constant 0.000000e+00 : f32
    %broadcast_in_dim3A_111 = vector.broadcast %jit3A_110 : f32 to vector<8x128xf32>
    %select_n3A_112 = arith.select %eq3A_106, %get3A_109, %broadcast_in_dim3A_111 : vector<8x128xi1>, vector<8x128xf32>
    %reduce_sum3A_113 = arith.constant dense<0.000000e+00> : vector<128xf32>
    %reduce_sum3A_114 = vector.multi_reduction <add>, %select_n3A_112, %reduce_sum3A_113 [0] : vector<8x128xf32> to vector<128xf32>
    %eq3A_115 = arith.constant 3 : i32
    %eq3A_116 = vector.broadcast %eq3A_115 : i32 to vector<8x128xi32>
    %eq3A_117 = arith.cmpi eq, %iota3A, %eq3A_116 : vector<8x128xi32>
    %get3A_118 = arith.constant 0 : index
    %get3A_119 = arith.constant 0 : index
    %get3A_120 = vector.load %arg13[%get3A_118, %get3A_119] : memref<8x128xf32, #tpu.memory_space<vmem>>, vector<8x128xf32>
    %jit3A_121 = arith.constant 0.000000e+00 : f32
    %broadcast_in_dim3A_122 = vector.broadcast %jit3A_121 : f32 to vector<8x128xf32>
    %select_n3A_123 = arith.select %eq3A_117, %get3A_120, %broadcast_in_dim3A_122 : vector<8x128xi1>, vector<8x128xf32>
    %reduce_sum3A_124 = arith.constant dense<0.000000e+00> : vector<128xf32>
    %reduce_sum3A_125 = vector.multi_reduction <add>, %select_n3A_123, %reduce_sum3A_124 [0] : vector<8x128xf32> to vector<128xf32>
    %eq3A_126 = arith.constant 4 : i32
    %eq3A_127 = vector.broadcast %eq3A_126 : i32 to vector<8x128xi32>
    %eq3A_128 = arith.cmpi eq, %iota3A, %eq3A_127 : vector<8x128xi32>
    %get3A_129 = arith.constant 0 : index
    %get3A_130 = arith.constant 0 : index
    %get3A_131 = vector.load %arg14[%get3A_129, %get3A_130] : memref<8x128xf32, #tpu.memory_space<vmem>>, vector<8x128xf32>
    %jit3A_132 = arith.constant 0.000000e+00 : f32
    %broadcast_in_dim3A_133 = vector.broadcast %jit3A_132 : f32 to vector<8x128xf32>
    %select_n3A_134 = arith.select %eq3A_128, %get3A_131, %broadcast_in_dim3A_133 : vector<8x128xi1>, vector<8x128xf32>
    %reduce_sum3A_135 = arith.constant dense<0.000000e+00> : vector<128xf32>
    %reduce_sum3A_136 = vector.multi_reduction <add>, %select_n3A_134, %reduce_sum3A_135 [0] : vector<8x128xf32> to vector<128xf32>
    %eq3A_137 = arith.constant 5 : i32
    %eq3A_138 = vector.broadcast %eq3A_137 : i32 to vector<8x128xi32>
    %eq3A_139 = arith.cmpi eq, %iota3A, %eq3A_138 : vector<8x128xi32>
    %get3A_140 = arith.constant 0 : index
    %get3A_141 = arith.constant 0 : index
    %get3A_142 = vector.load %arg15[%get3A_140, %get3A_141] : memref<8x128xf32, #tpu.memory_space<vmem>>, vector<8x128xf32>
    %jit3A_143 = arith.constant 0.000000e+00 : f32
    %broadcast_in_dim3A_144 = vector.broadcast %jit3A_143 : f32 to vector<8x128xf32>
    %select_n3A_145 = arith.select %eq3A_139, %get3A_142, %broadcast_in_dim3A_144 : vector<8x128xi1>, vector<8x128xf32>
    %reduce_sum3A_146 = arith.constant dense<0.000000e+00> : vector<128xf32>
    %reduce_sum3A_147 = vector.multi_reduction <add>, %select_n3A_145, %reduce_sum3A_146 [0] : vector<8x128xf32> to vector<128xf32>
    %eq3A_148 = arith.constant 6 : i32
    %eq3A_149 = vector.broadcast %eq3A_148 : i32 to vector<8x128xi32>
    %eq3A_150 = arith.cmpi eq, %iota3A, %eq3A_149 : vector<8x128xi32>
    %get3A_151 = arith.constant 0 : index
    %get3A_152 = arith.constant 0 : index
    %get3A_153 = vector.load %arg16[%get3A_151, %get3A_152] : memref<8x128xf32, #tpu.memory_space<vmem>>, vector<8x128xf32>
    %jit3A_154 = arith.constant 0.000000e+00 : f32
    %broadcast_in_dim3A_155 = vector.broadcast %jit3A_154 : f32 to vector<8x128xf32>
    %select_n3A_156 = arith.select %eq3A_150, %get3A_153, %broadcast_in_dim3A_155 : vector<8x128xi1>, vector<8x128xf32>
    %reduce_sum3A_157 = arith.constant dense<0.000000e+00> : vector<128xf32>
    %reduce_sum3A_158 = vector.multi_reduction <add>, %select_n3A_156, %reduce_sum3A_157 [0] : vector<8x128xf32> to vector<128xf32>
    %eq3A_159 = arith.constant 7 : i32
    %eq3A_160 = vector.broadcast %eq3A_159 : i32 to vector<8x128xi32>
    %eq3A_161 = arith.cmpi eq, %iota3A, %eq3A_160 : vector<8x128xi32>
    %get3A_162 = arith.constant 0 : index
    %get3A_163 = arith.constant 0 : index
    %get3A_164 = vector.load %arg17[%get3A_162, %get3A_163] : memref<8x128xf32, #tpu.memory_space<vmem>>, vector<8x128xf32>
    %jit3A_165 = arith.constant 0.000000e+00 : f32
    %broadcast_in_dim3A_166 = vector.broadcast %jit3A_165 : f32 to vector<8x128xf32>
    %select_n3A_167 = arith.select %eq3A_161, %get3A_164, %broadcast_in_dim3A_166 : vector<8x128xi1>, vector<8x128xf32>
    %reduce_sum3A_168 = arith.constant dense<0.000000e+00> : vector<128xf32>
    %reduce_sum3A_169 = vector.multi_reduction <add>, %select_n3A_167, %reduce_sum3A_168 [0] : vector<8x128xf32> to vector<128xf32>
    %eq3A_170 = arith.constant 0 : i32
    %eq3A_171 = vector.broadcast %eq3A_170 : i32 to vector<8x128xi32>
    %eq3A_172 = arith.cmpi eq, %iota3A, %eq3A_171 : vector<8x128xi32>
    %get3A_173 = arith.constant 0 : index
    %get3A_174 = arith.constant 0 : index
    %get3A_175 = vector.load %arg18[%get3A_173, %get3A_174] : memref<8x128xf32, #tpu.memory_space<vmem>>, vector<8x128xf32>
    %jit3A_176 = arith.constant 0.000000e+00 : f32
    %broadcast_in_dim3A_177 = vector.broadcast %jit3A_176 : f32 to vector<8x128xf32>
    %select_n3A_178 = arith.select %eq3A_172, %get3A_175, %broadcast_in_dim3A_177 : vector<8x128xi1>, vector<8x128xf32>
    %reduce_sum3A_179 = arith.constant dense<0.000000e+00> : vector<128xf32>
    %reduce_sum3A_180 = vector.multi_reduction <add>, %select_n3A_178, %reduce_sum3A_179 [0] : vector<8x128xf32> to vector<128xf32>
    %eq3A_181 = arith.constant 1 : i32
    %eq3A_182 = vector.broadcast %eq3A_181 : i32 to vector<8x128xi32>
    %eq3A_183 = arith.cmpi eq, %iota3A, %eq3A_182 : vector<8x128xi32>
    %get3A_184 = arith.constant 0 : index
    %get3A_185 = arith.constant 0 : index
    %get3A_186 = vector.load %arg19[%get3A_184, %get3A_185] : memref<8x128xf32, #tpu.memory_space<vmem>>, vector<8x128xf32>
    %jit3A_187 = arith.constant 0.000000e+00 : f32
    %broadcast_in_dim3A_188 = vector.broadcast %jit3A_187 : f32 to vector<8x128xf32>
    %select_n3A_189 = arith.select %eq3A_183, %get3A_186, %broadcast_in_dim3A_188 : vector<8x128xi1>, vector<8x128xf32>
    %reduce_sum3A_190 = arith.constant dense<0.000000e+00> : vector<128xf32>
    %reduce_sum3A_191 = vector.multi_reduction <add>, %select_n3A_189, %reduce_sum3A_190 [0] : vector<8x128xf32> to vector<128xf32>
    %eq3A_192 = arith.constant 2 : i32
    %eq3A_193 = vector.broadcast %eq3A_192 : i32 to vector<8x128xi32>
    %eq3A_194 = arith.cmpi eq, %iota3A, %eq3A_193 : vector<8x128xi32>
    %get3A_195 = arith.constant 0 : index
    %get3A_196 = arith.constant 0 : index
    %get3A_197 = vector.load %arg20[%get3A_195, %get3A_196] : memref<8x128xf32, #tpu.memory_space<vmem>>, vector<8x128xf32>
    %jit3A_198 = arith.constant 0.000000e+00 : f32
    %broadcast_in_dim3A_199 = vector.broadcast %jit3A_198 : f32 to vector<8x128xf32>
    %select_n3A_200 = arith.select %eq3A_194, %get3A_197, %broadcast_in_dim3A_199 : vector<8x128xi1>, vector<8x128xf32>
    %reduce_sum3A_201 = arith.constant dense<0.000000e+00> : vector<128xf32>
    %reduce_sum3A_202 = vector.multi_reduction <add>, %select_n3A_200, %reduce_sum3A_201 [0] : vector<8x128xf32> to vector<128xf32>
    %eq3A_203 = arith.constant 3 : i32
    %eq3A_204 = vector.broadcast %eq3A_203 : i32 to vector<8x128xi32>
    %eq3A_205 = arith.cmpi eq, %iota3A, %eq3A_204 : vector<8x128xi32>
    %get3A_206 = arith.constant 0 : index
    %get3A_207 = arith.constant 0 : index
    %get3A_208 = vector.load %arg21[%get3A_206, %get3A_207] : memref<8x128xf32, #tpu.memory_space<vmem>>, vector<8x128xf32>
    %jit3A_209 = arith.constant 0.000000e+00 : f32
    %broadcast_in_dim3A_210 = vector.broadcast %jit3A_209 : f32 to vector<8x128xf32>
    %select_n3A_211 = arith.select %eq3A_205, %get3A_208, %broadcast_in_dim3A_210 : vector<8x128xi1>, vector<8x128xf32>
    %reduce_sum3A_212 = arith.constant dense<0.000000e+00> : vector<128xf32>
    %reduce_sum3A_213 = vector.multi_reduction <add>, %select_n3A_211, %reduce_sum3A_212 [0] : vector<8x128xf32> to vector<128xf32>
    %eq3A_214 = arith.constant 4 : i32
    %eq3A_215 = vector.broadcast %eq3A_214 : i32 to vector<8x128xi32>
    %eq3A_216 = arith.cmpi eq, %iota3A, %eq3A_215 : vector<8x128xi32>
    %get3A_217 = arith.constant 0 : index
    %get3A_218 = arith.constant 0 : index
    %get3A_219 = vector.load %arg22[%get3A_217, %get3A_218] : memref<8x128xf32, #tpu.memory_space<vmem>>, vector<8x128xf32>
    %jit3A_220 = arith.constant 0.000000e+00 : f32
    %broadcast_in_dim3A_221 = vector.broadcast %jit3A_220 : f32 to vector<8x128xf32>
    %select_n3A_222 = arith.select %eq3A_216, %get3A_219, %broadcast_in_dim3A_221 : vector<8x128xi1>, vector<8x128xf32>
    %reduce_sum3A_223 = arith.constant dense<0.000000e+00> : vector<128xf32>
    %reduce_sum3A_224 = vector.multi_reduction <add>, %select_n3A_222, %reduce_sum3A_223 [0] : vector<8x128xf32> to vector<128xf32>
    %eq3A_225 = arith.constant 5 : i32
    %eq3A_226 = vector.broadcast %eq3A_225 : i32 to vector<8x128xi32>
    %eq3A_227 = arith.cmpi eq, %iota3A, %eq3A_226 : vector<8x128xi32>
    %get3A_228 = arith.constant 0 : index
    %get3A_229 = arith.constant 0 : index
    %get3A_230 = vector.load %arg23[%get3A_228, %get3A_229] : memref<8x128xf32, #tpu.memory_space<vmem>>, vector<8x128xf32>
    %jit3A_231 = arith.constant 0.000000e+00 : f32
    %broadcast_in_dim3A_232 = vector.broadcast %jit3A_231 : f32 to vector<8x128xf32>
    %select_n3A_233 = arith.select %eq3A_227, %get3A_230, %broadcast_in_dim3A_232 : vector<8x128xi1>, vector<8x128xf32>
    %reduce_sum3A_234 = arith.constant dense<0.000000e+00> : vector<128xf32>
    %reduce_sum3A_235 = vector.multi_reduction <add>, %select_n3A_233, %reduce_sum3A_234 [0] : vector<8x128xf32> to vector<128xf32>
    %eq3A_236 = arith.constant 6 : i32
    %eq3A_237 = vector.broadcast %eq3A_236 : i32 to vector<8x128xi32>
    %eq3A_238 = arith.cmpi eq, %iota3A, %eq3A_237 : vector<8x128xi32>
    %get3A_239 = arith.constant 0 : index
    %get3A_240 = arith.constant 0 : index
    %get3A_241 = vector.load %arg24[%get3A_239, %get3A_240] : memref<8x128xf32, #tpu.memory_space<vmem>>, vector<8x128xf32>
    %jit3A_242 = arith.constant 0.000000e+00 : f32
    %broadcast_in_dim3A_243 = vector.broadcast %jit3A_242 : f32 to vector<8x128xf32>
    %select_n3A_244 = arith.select %eq3A_238, %get3A_241, %broadcast_in_dim3A_243 : vector<8x128xi1>, vector<8x128xf32>
    %reduce_sum3A_245 = arith.constant dense<0.000000e+00> : vector<128xf32>
    %reduce_sum3A_246 = vector.multi_reduction <add>, %select_n3A_244, %reduce_sum3A_245 [0] : vector<8x128xf32> to vector<128xf32>
    %eq3A_247 = arith.constant 7 : i32
    %eq3A_248 = vector.broadcast %eq3A_247 : i32 to vector<8x128xi32>
    %eq3A_249 = arith.cmpi eq, %iota3A, %eq3A_248 : vector<8x128xi32>
    %get3A_250 = arith.constant 0 : index
    %get3A_251 = arith.constant 0 : index
    %get3A_252 = vector.load %arg25[%get3A_250, %get3A_251] : memref<8x128xf32, #tpu.memory_space<vmem>>, vector<8x128xf32>
    %jit3A_253 = arith.constant 0.000000e+00 : f32
    %broadcast_in_dim3A_254 = vector.broadcast %jit3A_253 : f32 to vector<8x128xf32>
    %select_n3A_255 = arith.select %eq3A_249, %get3A_252, %broadcast_in_dim3A_254 : vector<8x128xi1>, vector<8x128xf32>
    %reduce_sum3A_256 = arith.constant dense<0.000000e+00> : vector<128xf32>
    %reduce_sum3A_257 = vector.multi_reduction <add>, %select_n3A_255, %reduce_sum3A_256 [0] : vector<8x128xf32> to vector<128xf32>
    %eq3A_258 = arith.constant 0 : i32
    %eq3A_259 = vector.broadcast %eq3A_258 : i32 to vector<8x128xi32>
    %eq3A_260 = arith.cmpi eq, %iota3A, %eq3A_259 : vector<8x128xi32>
    %get3A_261 = arith.constant 0 : index
    %get3A_262 = arith.constant 0 : index
    %get3A_263 = vector.load %arg26[%get3A_261, %get3A_262] : memref<8x128xf32, #tpu.memory_space<vmem>>, vector<8x128xf32>
    %jit3A_264 = arith.constant 0.000000e+00 : f32
    %broadcast_in_dim3A_265 = vector.broadcast %jit3A_264 : f32 to vector<8x128xf32>
    %select_n3A_266 = arith.select %eq3A_260, %get3A_263, %broadcast_in_dim3A_265 : vector<8x128xi1>, vector<8x128xf32>
    %reduce_sum3A_267 = arith.constant dense<0.000000e+00> : vector<128xf32>
    %reduce_sum3A_268 = vector.multi_reduction <add>, %select_n3A_266, %reduce_sum3A_267 [0] : vector<8x128xf32> to vector<128xf32>
    %eq3A_269 = arith.constant 1 : i32
    %eq3A_270 = vector.broadcast %eq3A_269 : i32 to vector<8x128xi32>
    %eq3A_271 = arith.cmpi eq, %iota3A, %eq3A_270 : vector<8x128xi32>
    %get3A_272 = arith.constant 0 : index
    %get3A_273 = arith.constant 0 : index
    %get3A_274 = vector.load %arg27[%get3A_272, %get3A_273] : memref<8x128xf32, #tpu.memory_space<vmem>>, vector<8x128xf32>
    %jit3A_275 = arith.constant 0.000000e+00 : f32
    %broadcast_in_dim3A_276 = vector.broadcast %jit3A_275 : f32 to vector<8x128xf32>
    %select_n3A_277 = arith.select %eq3A_271, %get3A_274, %broadcast_in_dim3A_276 : vector<8x128xi1>, vector<8x128xf32>
    %reduce_sum3A_278 = arith.constant dense<0.000000e+00> : vector<128xf32>
    %reduce_sum3A_279 = vector.multi_reduction <add>, %select_n3A_277, %reduce_sum3A_278 [0] : vector<8x128xf32> to vector<128xf32>
    %eq3A_280 = arith.constant 2 : i32
    %eq3A_281 = vector.broadcast %eq3A_280 : i32 to vector<8x128xi32>
    %eq3A_282 = arith.cmpi eq, %iota3A, %eq3A_281 : vector<8x128xi32>
    %get3A_283 = arith.constant 0 : index
    %get3A_284 = arith.constant 0 : index
    %get3A_285 = vector.load %arg28[%get3A_283, %get3A_284] : memref<8x128xf32, #tpu.memory_space<vmem>>, vector<8x128xf32>
    %jit3A_286 = arith.constant 0.000000e+00 : f32
    %broadcast_in_dim3A_287 = vector.broadcast %jit3A_286 : f32 to vector<8x128xf32>
    %select_n3A_288 = arith.select %eq3A_282, %get3A_285, %broadcast_in_dim3A_287 : vector<8x128xi1>, vector<8x128xf32>
    %reduce_sum3A_289 = arith.constant dense<0.000000e+00> : vector<128xf32>
    %reduce_sum3A_290 = vector.multi_reduction <add>, %select_n3A_288, %reduce_sum3A_289 [0] : vector<8x128xf32> to vector<128xf32>
    %eq3A_291 = arith.constant 3 : i32
    %eq3A_292 = vector.broadcast %eq3A_291 : i32 to vector<8x128xi32>
    %eq3A_293 = arith.cmpi eq, %iota3A, %eq3A_292 : vector<8x128xi32>
    %get3A_294 = arith.constant 0 : index
    %get3A_295 = arith.constant 0 : index
    %get3A_296 = vector.load %arg29[%get3A_294, %get3A_295] : memref<8x128xf32, #tpu.memory_space<vmem>>, vector<8x128xf32>
    %jit3A_297 = arith.constant 0.000000e+00 : f32
    %broadcast_in_dim3A_298 = vector.broadcast %jit3A_297 : f32 to vector<8x128xf32>
    %select_n3A_299 = arith.select %eq3A_293, %get3A_296, %broadcast_in_dim3A_298 : vector<8x128xi1>, vector<8x128xf32>
    %reduce_sum3A_300 = arith.constant dense<0.000000e+00> : vector<128xf32>
    %reduce_sum3A_301 = vector.multi_reduction <add>, %select_n3A_299, %reduce_sum3A_300 [0] : vector<8x128xf32> to vector<128xf32>
    %eq3A_302 = arith.constant 4 : i32
    %eq3A_303 = vector.broadcast %eq3A_302 : i32 to vector<8x128xi32>
    %eq3A_304 = arith.cmpi eq, %iota3A, %eq3A_303 : vector<8x128xi32>
    %get3A_305 = arith.constant 0 : index
    %get3A_306 = arith.constant 0 : index
    %get3A_307 = vector.load %arg30[%get3A_305, %get3A_306] : memref<8x128xf32, #tpu.memory_space<vmem>>, vector<8x128xf32>
    %jit3A_308 = arith.constant 0.000000e+00 : f32
    %broadcast_in_dim3A_309 = vector.broadcast %jit3A_308 : f32 to vector<8x128xf32>
    %select_n3A_310 = arith.select %eq3A_304, %get3A_307, %broadcast_in_dim3A_309 : vector<8x128xi1>, vector<8x128xf32>
    %reduce_sum3A_311 = arith.constant dense<0.000000e+00> : vector<128xf32>
    %reduce_sum3A_312 = vector.multi_reduction <add>, %select_n3A_310, %reduce_sum3A_311 [0] : vector<8x128xf32> to vector<128xf32>
    %eq3A_313 = arith.constant 5 : i32
    %eq3A_314 = vector.broadcast %eq3A_313 : i32 to vector<8x128xi32>
    %eq3A_315 = arith.cmpi eq, %iota3A, %eq3A_314 : vector<8x128xi32>
    %get3A_316 = arith.constant 0 : index
    %get3A_317 = arith.constant 0 : index
    %get3A_318 = vector.load %arg31[%get3A_316, %get3A_317] : memref<8x128xf32, #tpu.memory_space<vmem>>, vector<8x128xf32>
    %jit3A_319 = arith.constant 0.000000e+00 : f32
    %broadcast_in_dim3A_320 = vector.broadcast %jit3A_319 : f32 to vector<8x128xf32>
    %select_n3A_321 = arith.select %eq3A_315, %get3A_318, %broadcast_in_dim3A_320 : vector<8x128xi1>, vector<8x128xf32>
    %reduce_sum3A_322 = arith.constant dense<0.000000e+00> : vector<128xf32>
    %reduce_sum3A_323 = vector.multi_reduction <add>, %select_n3A_321, %reduce_sum3A_322 [0] : vector<8x128xf32> to vector<128xf32>
    %eq3A_324 = arith.constant 6 : i32
    %eq3A_325 = vector.broadcast %eq3A_324 : i32 to vector<8x128xi32>
    %eq3A_326 = arith.cmpi eq, %iota3A, %eq3A_325 : vector<8x128xi32>
    %get3A_327 = arith.constant 0 : index
    %get3A_328 = arith.constant 0 : index
    %get3A_329 = vector.load %arg32[%get3A_327, %get3A_328] : memref<8x128xf32, #tpu.memory_space<vmem>>, vector<8x128xf32>
    %jit3A_330 = arith.constant 0.000000e+00 : f32
    %broadcast_in_dim3A_331 = vector.broadcast %jit3A_330 : f32 to vector<8x128xf32>
    %select_n3A_332 = arith.select %eq3A_326, %get3A_329, %broadcast_in_dim3A_331 : vector<8x128xi1>, vector<8x128xf32>
    %reduce_sum3A_333 = arith.constant dense<0.000000e+00> : vector<128xf32>
    %reduce_sum3A_334 = vector.multi_reduction <add>, %select_n3A_332, %reduce_sum3A_333 [0] : vector<8x128xf32> to vector<128xf32>
    %eq3A_335 = arith.constant 7 : i32
    %eq3A_336 = vector.broadcast %eq3A_335 : i32 to vector<8x128xi32>
    %eq3A_337 = arith.cmpi eq, %iota3A, %eq3A_336 : vector<8x128xi32>
    %get3A_338 = arith.constant 0 : index
    %get3A_339 = arith.constant 0 : index
    %get3A_340 = vector.load %arg33[%get3A_338, %get3A_339] : memref<8x128xf32, #tpu.memory_space<vmem>>, vector<8x128xf32>
    %jit3A_341 = arith.constant 0.000000e+00 : f32
    %broadcast_in_dim3A_342 = vector.broadcast %jit3A_341 : f32 to vector<8x128xf32>
    %select_n3A_343 = arith.select %eq3A_337, %get3A_340, %broadcast_in_dim3A_342 : vector<8x128xi1>, vector<8x128xf32>
    %reduce_sum3A_344 = arith.constant dense<0.000000e+00> : vector<128xf32>
    %reduce_sum3A_345 = vector.multi_reduction <add>, %select_n3A_343, %reduce_sum3A_344 [0] : vector<8x128xf32> to vector<128xf32>
    %concatenate3A = tpu.concatenate %reduce_sum3A_4, %reduce_sum3A_15, %reduce_sum3A_26, %reduce_sum3A_37, %reduce_sum3A_48, %reduce_sum3A_59, %reduce_sum3A_70, %reduce_sum3A_81, %reduce_sum3A_92, %reduce_sum3A_103, %reduce_sum3A_114, %reduce_sum3A_125, %reduce_sum3A_136, %reduce_sum3A_147, %reduce_sum3A_158, %reduce_sum3A_169, %reduce_sum3A_180, %reduce_sum3A_191, %reduce_sum3A_202, %reduce_sum3A_213, %reduce_sum3A_224, %reduce_sum3A_235, %reduce_sum3A_246, %reduce_sum3A_257, %reduce_sum3A_268, %reduce_sum3A_279, %reduce_sum3A_290, %reduce_sum3A_301, %reduce_sum3A_312, %reduce_sum3A_323, %reduce_sum3A_334, %reduce_sum3A_345 in 0 : vector<128xf32>, vector<128xf32>, vector<128xf32>, vector<128xf32>, vector<128xf32>, vector<128xf32>, vector<128xf32>, vector<128xf32>, vector<128xf32>, vector<128xf32>, vector<128xf32>, vector<128xf32>, vector<128xf32>, vector<128xf32>, vector<128xf32>, vector<128xf32>, vector<128xf32>, vector<128xf32>, vector<128xf32>, vector<128xf32>, vector<128xf32>, vector<128xf32>, vector<128xf32>, vector<128xf32>, vector<128xf32>, vector<128xf32>, vector<128xf32>, vector<128xf32>, vector<128xf32>, vector<128xf32>, vector<128xf32>, vector<128xf32> -> vector<4096xf32>
    %swap3A = arith.constant 0 : index
    %swap3A_346 = vector.load %arg34[%swap3A] : memref<4096xf32, #tpu.memory_space<vmem>>, vector<4096xf32>
    tpu.vector_store %arg34[%swap3A], %concatenate3A {strides = array<i32>} : memref<4096xf32, #tpu.memory_space<vmem>>, vector<4096xf32>,
    return
  }
  func.func @transform_0(%arg0: i32, %arg1: memref<128xi32, #tpu.memory_space<smem>>) -> (i32, i32) {
    %mul3A = arith.constant 32 : i32
    %mul3A_0 = arith.muli %mul3A, %arg0 : i32
    %add3A = arith.constant 0 : i32
    %add3A_1 = arith.addi %mul3A_0, %add3A : i32
    %jit3A = arith.constant 8 : i32
    %div3A = arith.divsi %add3A_1, %jit3A : i32
    %sign3A = arith.constant 0 : i32
    %sign3A_2 = arith.cmpi sgt, %add3A_1, %sign3A : i32
    %sign3A_3 = arith.extui %sign3A_2 : i1 to i32
    %sign3A_4 = arith.constant 0 : i32
    %sign3A_5 = arith.cmpi slt, %add3A_1, %sign3A_4 : i32
    %sign3A_6 = arith.extui %sign3A_5 : i1 to i32
    %sign3A_7 = arith.subi %sign3A_3, %sign3A_6 : i32
    %sign3A_8 = arith.constant 0 : i32
    %sign3A_9 = arith.cmpi sgt, %jit3A, %sign3A_8 : i32
    %sign3A_10 = arith.extui %sign3A_9 : i1 to i32
    %sign3A_11 = arith.constant 0 : i32
    %sign3A_12 = arith.cmpi slt, %jit3A, %sign3A_11 : i32
    %sign3A_13 = arith.extui %sign3A_12 : i1 to i32
    %sign3A_14 = arith.subi %sign3A_10, %sign3A_13 : i32
    %ne3A = arith.cmpi ne, %sign3A_7, %sign3A_14 : i32
    %rem3A = arith.remsi %add3A_1, %jit3A : i32
    %ne3A_15 = arith.constant 0 : i32
    %ne3A_16 = arith.cmpi ne, %rem3A, %ne3A_15 : i32
    %and3A = arith.andi %ne3A, %ne3A_16 : i1
    %sub3A = arith.constant 1 : i32
    %sub3A_17 = arith.subi %div3A, %sub3A : i32
    %select_n3A = arith.select %and3A, %sub3A_17, %div3A : i32
    %mul3A_18 = arith.constant 32 : i32
    %mul3A_19 = arith.muli %mul3A_18, %arg0 : i32
    %add3A_20 = arith.constant 0 : i32
    %add3A_21 = arith.addi %mul3A_19, %add3A_20 : i32
    %get3A = arith.index_cast %add3A_21 : i32 to index
    %get3A_22 = memref.load %arg1[%get3A] : memref<128xi32, #tpu.memory_space<smem>>
    %jit3A_23 = arith.constant 128 : i32
    %div3A_24 = arith.divsi %get3A_22, %jit3A_23 : i32
    %sign3A_25 = arith.constant 0 : i32
    %sign3A_26 = arith.cmpi sgt, %get3A_22, %sign3A_25 : i32
    %sign3A_27 = arith.extui %sign3A_26 : i1 to i32
    %sign3A_28 = arith.constant 0 : i32
    %sign3A_29 = arith.cmpi slt, %get3A_22, %sign3A_28 : i32
    %sign3A_30 = arith.extui %sign3A_29 : i1 to i32
    %sign3A_31 = arith.subi %sign3A_27, %sign3A_30 : i32
    %sign3A_32 = arith.constant 0 : i32
    %sign3A_33 = arith.cmpi sgt, %jit3A_23, %sign3A_32 : i32
    %sign3A_34 = arith.extui %sign3A_33 : i1 to i32
    %sign3A_35 = arith.constant 0 : i32
    %sign3A_36 = arith.cmpi slt, %jit3A_23, %sign3A_35 : i32
    %sign3A_37 = arith.extui %sign3A_36 : i1 to i32
    %sign3A_38 = arith.subi %sign3A_34, %sign3A_37 : i32
    %ne3A_39 = arith.cmpi ne, %sign3A_31, %sign3A_38 : i32
    %rem3A_40 = arith.remsi %get3A_22, %jit3A_23 : i32
    %ne3A_41 = arith.constant 0 : i32
    %ne3A_42 = arith.cmpi ne, %rem3A_40, %ne3A_41 : i32
    %and3A_43 = arith.andi %ne3A_39, %ne3A_42 : i1
    %sub3A_44 = arith.constant 1 : i32
    %sub3A_45 = arith.subi %div3A_24, %sub3A_44 : i32
    %select_n3A_46 = arith.select %and3A_43, %sub3A_45, %div3A_24 : i32
    %c0_i32 = arith.constant 0 : i32
    return %select_n3A, %select_n3A_46 : i32, i32
  }
  func.func @transform_1(%arg0: i32, %arg1: memref<128xi32, #tpu.memory_space<smem>>) -> (i32, i32) {
    %mul3A = arith.constant 32 : i32
    %mul3A_0 = arith.muli %mul3A, %arg0 : i32
    %add3A = arith.constant 1 : i32
    %add3A_1 = arith.addi %mul3A_0, %add3A : i32
    %jit3A = arith.constant 8 : i32
    %div3A = arith.divsi %add3A_1, %jit3A : i32
    %sign3A = arith.constant 0 : i32
    %sign3A_2 = arith.cmpi sgt, %add3A_1, %sign3A : i32
    %sign3A_3 = arith.extui %sign3A_2 : i1 to i32
    %sign3A_4 = arith.constant 0 : i32
    %sign3A_5 = arith.cmpi slt, %add3A_1, %sign3A_4 : i32
    %sign3A_6 = arith.extui %sign3A_5 : i1 to i32
    %sign3A_7 = arith.subi %sign3A_3, %sign3A_6 : i32
    %sign3A_8 = arith.constant 0 : i32
    %sign3A_9 = arith.cmpi sgt, %jit3A, %sign3A_8 : i32
    %sign3A_10 = arith.extui %sign3A_9 : i1 to i32
    %sign3A_11 = arith.constant 0 : i32
    %sign3A_12 = arith.cmpi slt, %jit3A, %sign3A_11 : i32
    %sign3A_13 = arith.extui %sign3A_12 : i1 to i32
    %sign3A_14 = arith.subi %sign3A_10, %sign3A_13 : i32
    %ne3A = arith.cmpi ne, %sign3A_7, %sign3A_14 : i32
    %rem3A = arith.remsi %add3A_1, %jit3A : i32
    %ne3A_15 = arith.constant 0 : i32
    %ne3A_16 = arith.cmpi ne, %rem3A, %ne3A_15 : i32
    %and3A = arith.andi %ne3A, %ne3A_16 : i1
    %sub3A = arith.constant 1 : i32
    %sub3A_17 = arith.subi %div3A, %sub3A : i32
    %select_n3A = arith.select %and3A, %sub3A_17, %div3A : i32
    %mul3A_18 = arith.constant 32 : i32
    %mul3A_19 = arith.muli %mul3A_18, %arg0 : i32
    %add3A_20 = arith.constant 1 : i32
    %add3A_21 = arith.addi %mul3A_19, %add3A_20 : i32
    %get3A = arith.index_cast %add3A_21 : i32 to index
    %get3A_22 = memref.load %arg1[%get3A] : memref<128xi32, #tpu.memory_space<smem>>
    %jit3A_23 = arith.constant 128 : i32
    %div3A_24 = arith.divsi %get3A_22, %jit3A_23 : i32
    %sign3A_25 = arith.constant 0 : i32
    %sign3A_26 = arith.cmpi sgt, %get3A_22, %sign3A_25 : i32
    %sign3A_27 = arith.extui %sign3A_26 : i1 to i32
    %sign3A_28 = arith.constant 0 : i32
    %sign3A_29 = arith.cmpi slt, %get3A_22, %sign3A_28 : i32
    %sign3A_30 = arith.extui %sign3A_29 : i1 to i32
    %sign3A_31 = arith.subi %sign3A_27, %sign3A_30 : i32
    %sign3A_32 = arith.constant 0 : i32
    %sign3A_33 = arith.cmpi sgt, %jit3A_23, %sign3A_32 : i32
    %sign3A_34 = arith.extui %sign3A_33 : i1 to i32
    %sign3A_35 = arith.constant 0 : i32
    %sign3A_36 = arith.cmpi slt, %jit3A_23, %sign3A_35 : i32
    %sign3A_37 = arith.extui %sign3A_36 : i1 to i32
    %sign3A_38 = arith.subi %sign3A_34, %sign3A_37 : i32
    %ne3A_39 = arith.cmpi ne, %sign3A_31, %sign3A_38 : i32
    %rem3A_40 = arith.remsi %get3A_22, %jit3A_23 : i32
    %ne3A_41 = arith.constant 0 : i32
    %ne3A_42 = arith.cmpi ne, %rem3A_40, %ne3A_41 : i32
    %and3A_43 = arith.andi %ne3A_39, %ne3A_42 : i1
    %sub3A_44 = arith.constant 1 : i32
    %sub3A_45 = arith.subi %div3A_24, %sub3A_44 : i32
    %select_n3A_46 = arith.select %and3A_43, %sub3A_45, %div3A_24 : i32
    %c0_i32 = arith.constant 0 : i32
    return %select_n3A, %select_n3A_46 : i32, i32
  }
  func.func @transform_2(%arg0: i32, %arg1: memref<128xi32, #tpu.memory_space<smem>>) -> (i32, i32) {
    %mul3A = arith.constant 32 : i32
    %mul3A_0 = arith.muli %mul3A, %arg0 : i32
    %add3A = arith.constant 2 : i32
    %add3A_1 = arith.addi %mul3A_0, %add3A : i32
    %jit3A = arith.constant 8 : i32
    %div3A = arith.divsi %add3A_1, %jit3A : i32
    %sign3A = arith.constant 0 : i32
    %sign3A_2 = arith.cmpi sgt, %add3A_1, %sign3A : i32
    %sign3A_3 = arith.extui %sign3A_2 : i1 to i32
    %sign3A_4 = arith.constant 0 : i32
    %sign3A_5 = arith.cmpi slt, %add3A_1, %sign3A_4 : i32
    %sign3A_6 = arith.extui %sign3A_5 : i1 to i32
    %sign3A_7 = arith.subi %sign3A_3, %sign3A_6 : i32
    %sign3A_8 = arith.constant 0 : i32
    %sign3A_9 = arith.cmpi sgt, %jit3A, %sign3A_8 : i32
    %sign3A_10 = arith.extui %sign3A_9 : i1 to i32
    %sign3A_11 = arith.constant 0 : i32
    %sign3A_12 = arith.cmpi slt, %jit3A, %sign3A_11 : i32
    %sign3A_13 = arith.extui %sign3A_12 : i1 to i32
    %sign3A_14 = arith.subi %sign3A_10, %sign3A_13 : i32
    %ne3A = arith.cmpi ne, %sign3A_7, %sign3A_14 : i32
    %rem3A = arith.remsi %add3A_1, %jit3A : i32
    %ne3A_15 = arith.constant 0 : i32
    %ne3A_16 = arith.cmpi ne, %rem3A, %ne3A_15 : i32
    %and3A = arith.andi %ne3A, %ne3A_16 : i1
    %sub3A = arith.constant 1 : i32
    %sub3A_17 = arith.subi %div3A, %sub3A : i32
    %select_n3A = arith.select %and3A, %sub3A_17, %div3A : i32
    %mul3A_18 = arith.constant 32 : i32
    %mul3A_19 = arith.muli %mul3A_18, %arg0 : i32
    %add3A_20 = arith.constant 2 : i32
    %add3A_21 = arith.addi %mul3A_19, %add3A_20 : i32
    %get3A = arith.index_cast %add3A_21 : i32 to index
    %get3A_22 = memref.load %arg1[%get3A] : memref<128xi32, #tpu.memory_space<smem>>
    %jit3A_23 = arith.constant 128 : i32
    %div3A_24 = arith.divsi %get3A_22, %jit3A_23 : i32
    %sign3A_25 = arith.constant 0 : i32
    %sign3A_26 = arith.cmpi sgt, %get3A_22, %sign3A_25 : i32
    %sign3A_27 = arith.extui %sign3A_26 : i1 to i32
    %sign3A_28 = arith.constant 0 : i32
    %sign3A_29 = arith.cmpi slt, %get3A_22, %sign3A_28 : i32
    %sign3A_30 = arith.extui %sign3A_29 : i1 to i32
    %sign3A_31 = arith.subi %sign3A_27, %sign3A_30 : i32
    %sign3A_32 = arith.constant 0 : i32
    %sign3A_33 = arith.cmpi sgt, %jit3A_23, %sign3A_32 : i32
    %sign3A_34 = arith.extui %sign3A_33 : i1 to i32
    %sign3A_35 = arith.constant 0 : i32
    %sign3A_36 = arith.cmpi slt, %jit3A_23, %sign3A_35 : i32
    %sign3A_37 = arith.extui %sign3A_36 : i1 to i32
    %sign3A_38 = arith.subi %sign3A_34, %sign3A_37 : i32
    %ne3A_39 = arith.cmpi ne, %sign3A_31, %sign3A_38 : i32
    %rem3A_40 = arith.remsi %get3A_22, %jit3A_23 : i32
    %ne3A_41 = arith.constant 0 : i32
    %ne3A_42 = arith.cmpi ne, %rem3A_40, %ne3A_41 : i32
    %and3A_43 = arith.andi %ne3A_39, %ne3A_42 : i1
    %sub3A_44 = arith.constant 1 : i32
    %sub3A_45 = arith.subi %div3A_24, %sub3A_44 : i32
    %select_n3A_46 = arith.select %and3A_43, %sub3A_45, %div3A_24 : i32
    %c0_i32 = arith.constant 0 : i32
    return %select_n3A, %select_n3A_46 : i32, i32
  }
  func.func @transform_3(%arg0: i32, %arg1: memref<128xi32, #tpu.memory_space<smem>>) -> (i32, i32) {
    %mul3A = arith.constant 32 : i32
    %mul3A_0 = arith.muli %mul3A, %arg0 : i32
    %add3A = arith.constant 3 : i32
    %add3A_1 = arith.addi %mul3A_0, %add3A : i32
    %jit3A = arith.constant 8 : i32
    %div3A = arith.divsi %add3A_1, %jit3A : i32
    %sign3A = arith.constant 0 : i32
    %sign3A_2 = arith.cmpi sgt, %add3A_1, %sign3A : i32
    %sign3A_3 = arith.extui %sign3A_2 : i1 to i32
    %sign3A_4 = arith.constant 0 : i32
    %sign3A_5 = arith.cmpi slt, %add3A_1, %sign3A_4 : i32
    %sign3A_6 = arith.extui %sign3A_5 : i1 to i32
    %sign3A_7 = arith.subi %sign3A_3, %sign3A_6 : i32
    %sign3A_8 = arith.constant 0 : i32
    %sign3A_9 = arith.cmpi sgt, %jit3A, %sign3A_8 : i32
    %sign3A_10 = arith.extui %sign3A_9 : i1 to i32
    %sign3A_11 = arith.constant 0 : i32
    %sign3A_12 = arith.cmpi slt, %jit3A, %sign3A_11 : i32
    %sign3A_13 = arith.extui %sign3A_12 : i1 to i32
    %sign3A_14 = arith.subi %sign3A_10, %sign3A_13 : i32
    %ne3A = arith.cmpi ne, %sign3A_7, %sign3A_14 : i32
    %rem3A = arith.remsi %add3A_1, %jit3A : i32
    %ne3A_15 = arith.constant 0 : i32
    %ne3A_16 = arith.cmpi ne, %rem3A, %ne3A_15 : i32
    %and3A = arith.andi %ne3A, %ne3A_16 : i1
    %sub3A = arith.constant 1 : i32
    %sub3A_17 = arith.subi %div3A, %sub3A : i32
    %select_n3A = arith.select %and3A, %sub3A_17, %div3A : i32
    %mul3A_18 = arith.constant 32 : i32
    %mul3A_19 = arith.muli %mul3A_18, %arg0 : i32
    %add3A_20 = arith.constant 3 : i32
    %add3A_21 = arith.addi %mul3A_19, %add3A_20 : i32
    %get3A = arith.index_cast %add3A_21 : i32 to index
    %get3A_22 = memref.load %arg1[%get3A] : memref<128xi32, #tpu.memory_space<smem>>
    %jit3A_23 = arith.constant 128 : i32
    %div3A_24 = arith.divsi %get3A_22, %jit3A_23 : i32
    %sign3A_25 = arith.constant 0 : i32
    %sign3A_26 = arith.cmpi sgt, %get3A_22, %sign3A_25 : i32
    %sign3A_27 = arith.extui %sign3A_26 : i1 to i32
    %sign3A_28 = arith.constant 0 : i32
    %sign3A_29 = arith.cmpi slt, %get3A_22, %sign3A_28 : i32
    %sign3A_30 = arith.extui %sign3A_29 : i1 to i32
    %sign3A_31 = arith.subi %sign3A_27, %sign3A_30 : i32
    %sign3A_32 = arith.constant 0 : i32
    %sign3A_33 = arith.cmpi sgt, %jit3A_23, %sign3A_32 : i32
    %sign3A_34 = arith.extui %sign3A_33 : i1 to i32
    %sign3A_35 = arith.constant 0 : i32
    %sign3A_36 = arith.cmpi slt, %jit3A_23, %sign3A_35 : i32
    %sign3A_37 = arith.extui %sign3A_36 : i1 to i32
    %sign3A_38 = arith.subi %sign3A_34, %sign3A_37 : i32
    %ne3A_39 = arith.cmpi ne, %sign3A_31, %sign3A_38 : i32
    %rem3A_40 = arith.remsi %get3A_22, %jit3A_23 : i32
    %ne3A_41 = arith.constant 0 : i32
    %ne3A_42 = arith.cmpi ne, %rem3A_40, %ne3A_41 : i32
    %and3A_43 = arith.andi %ne3A_39, %ne3A_42 : i1
    %sub3A_44 = arith.constant 1 : i32
    %sub3A_45 = arith.subi %div3A_24, %sub3A_44 : i32
    %select_n3A_46 = arith.select %and3A_43, %sub3A_45, %div3A_24 : i32
    %c0_i32 = arith.constant 0 : i32
    return %select_n3A, %select_n3A_46 : i32, i32
  }
  func.func @transform_4(%arg0: i32, %arg1: memref<128xi32, #tpu.memory_space<smem>>) -> (i32, i32) {
    %mul3A = arith.constant 32 : i32
    %mul3A_0 = arith.muli %mul3A, %arg0 : i32
    %add3A = arith.constant 4 : i32
    %add3A_1 = arith.addi %mul3A_0, %add3A : i32
    %jit3A = arith.constant 8 : i32
    %div3A = arith.divsi %add3A_1, %jit3A : i32
    %sign3A = arith.constant 0 : i32
    %sign3A_2 = arith.cmpi sgt, %add3A_1, %sign3A : i32
    %sign3A_3 = arith.extui %sign3A_2 : i1 to i32
    %sign3A_4 = arith.constant 0 : i32
    %sign3A_5 = arith.cmpi slt, %add3A_1, %sign3A_4 : i32
    %sign3A_6 = arith.extui %sign3A_5 : i1 to i32
    %sign3A_7 = arith.subi %sign3A_3, %sign3A_6 : i32
    %sign3A_8 = arith.constant 0 : i32
    %sign3A_9 = arith.cmpi sgt, %jit3A, %sign3A_8 : i32
    %sign3A_10 = arith.extui %sign3A_9 : i1 to i32
    %sign3A_11 = arith.constant 0 : i32
    %sign3A_12 = arith.cmpi slt, %jit3A, %sign3A_11 : i32
    %sign3A_13 = arith.extui %sign3A_12 : i1 to i32
    %sign3A_14 = arith.subi %sign3A_10, %sign3A_13 : i32
    %ne3A = arith.cmpi ne, %sign3A_7, %sign3A_14 : i32
    %rem3A = arith.remsi %add3A_1, %jit3A : i32
    %ne3A_15 = arith.constant 0 : i32
    %ne3A_16 = arith.cmpi ne, %rem3A, %ne3A_15 : i32
    %and3A = arith.andi %ne3A, %ne3A_16 : i1
    %sub3A = arith.constant 1 : i32
    %sub3A_17 = arith.subi %div3A, %sub3A : i32
    %select_n3A = arith.select %and3A, %sub3A_17, %div3A : i32
    %mul3A_18 = arith.constant 32 : i32
    %mul3A_19 = arith.muli %mul3A_18, %arg0 : i32
    %add3A_20 = arith.constant 4 : i32
    %add3A_21 = arith.addi %mul3A_19, %add3A_20 : i32
    %get3A = arith.index_cast %add3A_21 : i32 to index
    %get3A_22 = memref.load %arg1[%get3A] : memref<128xi32, #tpu.memory_space<smem>>
    %jit3A_23 = arith.constant 128 : i32
    %div3A_24 = arith.divsi %get3A_22, %jit3A_23 : i32
    %sign3A_25 = arith.constant 0 : i32
    %sign3A_26 = arith.cmpi sgt, %get3A_22, %sign3A_25 : i32
    %sign3A_27 = arith.extui %sign3A_26 : i1 to i32
    %sign3A_28 = arith.constant 0 : i32
    %sign3A_29 = arith.cmpi slt, %get3A_22, %sign3A_28 : i32
    %sign3A_30 = arith.extui %sign3A_29 : i1 to i32
    %sign3A_31 = arith.subi %sign3A_27, %sign3A_30 : i32
    %sign3A_32 = arith.constant 0 : i32
    %sign3A_33 = arith.cmpi sgt, %jit3A_23, %sign3A_32 : i32
    %sign3A_34 = arith.extui %sign3A_33 : i1 to i32
    %sign3A_35 = arith.constant 0 : i32
    %sign3A_36 = arith.cmpi slt, %jit3A_23, %sign3A_35 : i32
    %sign3A_37 = arith.extui %sign3A_36 : i1 to i32
    %sign3A_38 = arith.subi %sign3A_34, %sign3A_37 : i32
    %ne3A_39 = arith.cmpi ne, %sign3A_31, %sign3A_38 : i32
    %rem3A_40 = arith.remsi %get3A_22, %jit3A_23 : i32
    %ne3A_41 = arith.constant 0 : i32
    %ne3A_42 = arith.cmpi ne, %rem3A_40, %ne3A_41 : i32
    %and3A_43 = arith.andi %ne3A_39, %ne3A_42 : i1
    %sub3A_44 = arith.constant 1 : i32
    %sub3A_45 = arith.subi %div3A_24, %sub3A_44 : i32
    %select_n3A_46 = arith.select %and3A_43, %sub3A_45, %div3A_24 : i32
    %c0_i32 = arith.constant 0 : i32
    return %select_n3A, %select_n3A_46 : i32, i32
  }
  func.func @transform_5(%arg0: i32, %arg1: memref<128xi32, #tpu.memory_space<smem>>) -> (i32, i32) {
    %mul3A = arith.constant 32 : i32
    %mul3A_0 = arith.muli %mul3A, %arg0 : i32
    %add3A = arith.constant 5 : i32
    %add3A_1 = arith.addi %mul3A_0, %add3A : i32
    %jit3A = arith.constant 8 : i32
    %div3A = arith.divsi %add3A_1, %jit3A : i32
    %sign3A = arith.constant 0 : i32
    %sign3A_2 = arith.cmpi sgt, %add3A_1, %sign3A : i32
    %sign3A_3 = arith.extui %sign3A_2 : i1 to i32
    %sign3A_4 = arith.constant 0 : i32
    %sign3A_5 = arith.cmpi slt, %add3A_1, %sign3A_4 : i32
    %sign3A_6 = arith.extui %sign3A_5 : i1 to i32
    %sign3A_7 = arith.subi %sign3A_3, %sign3A_6 : i32
    %sign3A_8 = arith.constant 0 : i32
    %sign3A_9 = arith.cmpi sgt, %jit3A, %sign3A_8 : i32
    %sign3A_10 = arith.extui %sign3A_9 : i1 to i32
    %sign3A_11 = arith.constant 0 : i32
    %sign3A_12 = arith.cmpi slt, %jit3A, %sign3A_11 : i32
    %sign3A_13 = arith.extui %sign3A_12 : i1 to i32
    %sign3A_14 = arith.subi %sign3A_10, %sign3A_13 : i32
    %ne3A = arith.cmpi ne, %sign3A_7, %sign3A_14 : i32
    %rem3A = arith.remsi %add3A_1, %jit3A : i32
    %ne3A_15 = arith.constant 0 : i32
    %ne3A_16 = arith.cmpi ne, %rem3A, %ne3A_15 : i32
    %and3A = arith.andi %ne3A, %ne3A_16 : i1
    %sub3A = arith.constant 1 : i32
    %sub3A_17 = arith.subi %div3A, %sub3A : i32
    %select_n3A = arith.select %and3A, %sub3A_17, %div3A : i32
    %mul3A_18 = arith.constant 32 : i32
    %mul3A_19 = arith.muli %mul3A_18, %arg0 : i32
    %add3A_20 = arith.constant 5 : i32
    %add3A_21 = arith.addi %mul3A_19, %add3A_20 : i32
    %get3A = arith.index_cast %add3A_21 : i32 to index
    %get3A_22 = memref.load %arg1[%get3A] : memref<128xi32, #tpu.memory_space<smem>>
    %jit3A_23 = arith.constant 128 : i32
    %div3A_24 = arith.divsi %get3A_22, %jit3A_23 : i32
    %sign3A_25 = arith.constant 0 : i32
    %sign3A_26 = arith.cmpi sgt, %get3A_22, %sign3A_25 : i32
    %sign3A_27 = arith.extui %sign3A_26 : i1 to i32
    %sign3A_28 = arith.constant 0 : i32
    %sign3A_29 = arith.cmpi slt, %get3A_22, %sign3A_28 : i32
    %sign3A_30 = arith.extui %sign3A_29 : i1 to i32
    %sign3A_31 = arith.subi %sign3A_27, %sign3A_30 : i32
    %sign3A_32 = arith.constant 0 : i32
    %sign3A_33 = arith.cmpi sgt, %jit3A_23, %sign3A_32 : i32
    %sign3A_34 = arith.extui %sign3A_33 : i1 to i32
    %sign3A_35 = arith.constant 0 : i32
    %sign3A_36 = arith.cmpi slt, %jit3A_23, %sign3A_35 : i32
    %sign3A_37 = arith.extui %sign3A_36 : i1 to i32
    %sign3A_38 = arith.subi %sign3A_34, %sign3A_37 : i32
    %ne3A_39 = arith.cmpi ne, %sign3A_31, %sign3A_38 : i32
    %rem3A_40 = arith.remsi %get3A_22, %jit3A_23 : i32
    %ne3A_41 = arith.constant 0 : i32
    %ne3A_42 = arith.cmpi ne, %rem3A_40, %ne3A_41 : i32
    %and3A_43 = arith.andi %ne3A_39, %ne3A_42 : i1
    %sub3A_44 = arith.constant 1 : i32
    %sub3A_45 = arith.subi %div3A_24, %sub3A_44 : i32
    %select_n3A_46 = arith.select %and3A_43, %sub3A_45, %div3A_24 : i32
    %c0_i32 = arith.constant 0 : i32
    return %select_n3A, %select_n3A_46 : i32, i32
  }
  func.func @transform_6(%arg0: i32, %arg1: memref<128xi32, #tpu.memory_space<smem>>) -> (i32, i32) {
    %mul3A = arith.constant 32 : i32
    %mul3A_0 = arith.muli %mul3A, %arg0 : i32
    %add3A = arith.constant 6 : i32
    %add3A_1 = arith.addi %mul3A_0, %add3A : i32
    %jit3A = arith.constant 8 : i32
    %div3A = arith.divsi %add3A_1, %jit3A : i32
    %sign3A = arith.constant 0 : i32
    %sign3A_2 = arith.cmpi sgt, %add3A_1, %sign3A : i32
    %sign3A_3 = arith.extui %sign3A_2 : i1 to i32
    %sign3A_4 = arith.constant 0 : i32
    %sign3A_5 = arith.cmpi slt, %add3A_1, %sign3A_4 : i32
    %sign3A_6 = arith.extui %sign3A_5 : i1 to i32
    %sign3A_7 = arith.subi %sign3A_3, %sign3A_6 : i32
    %sign3A_8 = arith.constant 0 : i32
    %sign3A_9 = arith.cmpi sgt, %jit3A, %sign3A_8 : i32
    %sign3A_10 = arith.extui %sign3A_9 : i1 to i32
    %sign3A_11 = arith.constant 0 : i32
    %sign3A_12 = arith.cmpi slt, %jit3A, %sign3A_11 : i32
    %sign3A_13 = arith.extui %sign3A_12 : i1 to i32
    %sign3A_14 = arith.subi %sign3A_10, %sign3A_13 : i32
    %ne3A = arith.cmpi ne, %sign3A_7, %sign3A_14 : i32
    %rem3A = arith.remsi %add3A_1, %jit3A : i32
    %ne3A_15 = arith.constant 0 : i32
    %ne3A_16 = arith.cmpi ne, %rem3A, %ne3A_15 : i32
    %and3A = arith.andi %ne3A, %ne3A_16 : i1
    %sub3A = arith.constant 1 : i32
    %sub3A_17 = arith.subi %div3A, %sub3A : i32
    %select_n3A = arith.select %and3A, %sub3A_17, %div3A : i32
    %mul3A_18 = arith.constant 32 : i32
    %mul3A_19 = arith.muli %mul3A_18, %arg0 : i32
    %add3A_20 = arith.constant 6 : i32
    %add3A_21 = arith.addi %mul3A_19, %add3A_20 : i32
    %get3A = arith.index_cast %add3A_21 : i32 to index
    %get3A_22 = memref.load %arg1[%get3A] : memref<128xi32, #tpu.memory_space<smem>>
    %jit3A_23 = arith.constant 128 : i32
    %div3A_24 = arith.divsi %get3A_22, %jit3A_23 : i32
    %sign3A_25 = arith.constant 0 : i32
    %sign3A_26 = arith.cmpi sgt, %get3A_22, %sign3A_25 : i32
    %sign3A_27 = arith.extui %sign3A_26 : i1 to i32
    %sign3A_28 = arith.constant 0 : i32
    %sign3A_29 = arith.cmpi slt, %get3A_22, %sign3A_28 : i32
    %sign3A_30 = arith.extui %sign3A_29 : i1 to i32
    %sign3A_31 = arith.subi %sign3A_27, %sign3A_30 : i32
    %sign3A_32 = arith.constant 0 : i32
    %sign3A_33 = arith.cmpi sgt, %jit3A_23, %sign3A_32 : i32
    %sign3A_34 = arith.extui %sign3A_33 : i1 to i32
    %sign3A_35 = arith.constant 0 : i32
    %sign3A_36 = arith.cmpi slt, %jit3A_23, %sign3A_35 : i32
    %sign3A_37 = arith.extui %sign3A_36 : i1 to i32
    %sign3A_38 = arith.subi %sign3A_34, %sign3A_37 : i32
    %ne3A_39 = arith.cmpi ne, %sign3A_31, %sign3A_38 : i32
    %rem3A_40 = arith.remsi %get3A_22, %jit3A_23 : i32
    %ne3A_41 = arith.constant 0 : i32
    %ne3A_42 = arith.cmpi ne, %rem3A_40, %ne3A_41 : i32
    %and3A_43 = arith.andi %ne3A_39, %ne3A_42 : i1
    %sub3A_44 = arith.constant 1 : i32
    %sub3A_45 = arith.subi %div3A_24, %sub3A_44 : i32
    %select_n3A_46 = arith.select %and3A_43, %sub3A_45, %div3A_24 : i32
    %c0_i32 = arith.constant 0 : i32
    return %select_n3A, %select_n3A_46 : i32, i32
  }
  func.func @transform_7(%arg0: i32, %arg1: memref<128xi32, #tpu.memory_space<smem>>) -> (i32, i32) {
    %mul3A = arith.constant 32 : i32
    %mul3A_0 = arith.muli %mul3A, %arg0 : i32
    %add3A = arith.constant 7 : i32
    %add3A_1 = arith.addi %mul3A_0, %add3A : i32
    %jit3A = arith.constant 8 : i32
    %div3A = arith.divsi %add3A_1, %jit3A : i32
    %sign3A = arith.constant 0 : i32
    %sign3A_2 = arith.cmpi sgt, %add3A_1, %sign3A : i32
    %sign3A_3 = arith.extui %sign3A_2 : i1 to i32
    %sign3A_4 = arith.constant 0 : i32
    %sign3A_5 = arith.cmpi slt, %add3A_1, %sign3A_4 : i32
    %sign3A_6 = arith.extui %sign3A_5 : i1 to i32
    %sign3A_7 = arith.subi %sign3A_3, %sign3A_6 : i32
    %sign3A_8 = arith.constant 0 : i32
    %sign3A_9 = arith.cmpi sgt, %jit3A, %sign3A_8 : i32
    %sign3A_10 = arith.extui %sign3A_9 : i1 to i32
    %sign3A_11 = arith.constant 0 : i32
    %sign3A_12 = arith.cmpi slt, %jit3A, %sign3A_11 : i32
    %sign3A_13 = arith.extui %sign3A_12 : i1 to i32
    %sign3A_14 = arith.subi %sign3A_10, %sign3A_13 : i32
    %ne3A = arith.cmpi ne, %sign3A_7, %sign3A_14 : i32
    %rem3A = arith.remsi %add3A_1, %jit3A : i32
    %ne3A_15 = arith.constant 0 : i32
    %ne3A_16 = arith.cmpi ne, %rem3A, %ne3A_15 : i32
    %and3A = arith.andi %ne3A, %ne3A_16 : i1
    %sub3A = arith.constant 1 : i32
    %sub3A_17 = arith.subi %div3A, %sub3A : i32
    %select_n3A = arith.select %and3A, %sub3A_17, %div3A : i32
    %mul3A_18 = arith.constant 32 : i32
    %mul3A_19 = arith.muli %mul3A_18, %arg0 : i32
    %add3A_20 = arith.constant 7 : i32
    %add3A_21 = arith.addi %mul3A_19, %add3A_20 : i32
    %get3A = arith.index_cast %add3A_21 : i32 to index
    %get3A_22 = memref.load %arg1[%get3A] : memref<128xi32, #tpu.memory_space<smem>>
    %jit3A_23 = arith.constant 128 : i32
    %div3A_24 = arith.divsi %get3A_22, %jit3A_23 : i32
    %sign3A_25 = arith.constant 0 : i32
    %sign3A_26 = arith.cmpi sgt, %get3A_22, %sign3A_25 : i32
    %sign3A_27 = arith.extui %sign3A_26 : i1 to i32
    %sign3A_28 = arith.constant 0 : i32
    %sign3A_29 = arith.cmpi slt, %get3A_22, %sign3A_28 : i32
    %sign3A_30 = arith.extui %sign3A_29 : i1 to i32
    %sign3A_31 = arith.subi %sign3A_27, %sign3A_30 : i32
    %sign3A_32 = arith.constant 0 : i32
    %sign3A_33 = arith.cmpi sgt, %jit3A_23, %sign3A_32 : i32
    %sign3A_34 = arith.extui %sign3A_33 : i1 to i32
    %sign3A_35 = arith.constant 0 : i32
    %sign3A_36 = arith.cmpi slt, %jit3A_23, %sign3A_35 : i32
    %sign3A_37 = arith.extui %sign3A_36 : i1 to i32
    %sign3A_38 = arith.subi %sign3A_34, %sign3A_37 : i32
    %ne3A_39 = arith.cmpi ne, %sign3A_31, %sign3A_38 : i32
    %rem3A_40 = arith.remsi %get3A_22, %jit3A_23 : i32
    %ne3A_41 = arith.constant 0 : i32
    %ne3A_42 = arith.cmpi ne, %rem3A_40, %ne3A_41 : i32
    %and3A_43 = arith.andi %ne3A_39, %ne3A_42 : i1
    %sub3A_44 = arith.constant 1 : i32
    %sub3A_45 = arith.subi %div3A_24, %sub3A_44 : i32
    %select_n3A_46 = arith.select %and3A_43, %sub3A_45, %div3A_24 : i32
    %c0_i32 = arith.constant 0 : i32
    return %select_n3A, %select_n3A_46 : i32, i32
  }
  func.func @transform_8(%arg0: i32, %arg1: memref<128xi32, #tpu.memory_space<smem>>) -> (i32, i32) {
    %mul3A = arith.constant 32 : i32
    %mul3A_0 = arith.muli %mul3A, %arg0 : i32
    %add3A = arith.constant 8 : i32
    %add3A_1 = arith.addi %mul3A_0, %add3A : i32
    %jit3A = arith.constant 8 : i32
    %div3A = arith.divsi %add3A_1, %jit3A : i32
    %sign3A = arith.constant 0 : i32
    %sign3A_2 = arith.cmpi sgt, %add3A_1, %sign3A : i32
    %sign3A_3 = arith.extui %sign3A_2 : i1 to i32
    %sign3A_4 = arith.constant 0 : i32
    %sign3A_5 = arith.cmpi slt, %add3A_1, %sign3A_4 : i32
    %sign3A_6 = arith.extui %sign3A_5 : i1 to i32
    %sign3A_7 = arith.subi %sign3A_3, %sign3A_6 : i32
    %sign3A_8 = arith.constant 0 : i32
    %sign3A_9 = arith.cmpi sgt, %jit3A, %sign3A_8 : i32
    %sign3A_10 = arith.extui %sign3A_9 : i1 to i32
    %sign3A_11 = arith.constant 0 : i32
    %sign3A_12 = arith.cmpi slt, %jit3A, %sign3A_11 : i32
    %sign3A_13 = arith.extui %sign3A_12 : i1 to i32
    %sign3A_14 = arith.subi %sign3A_10, %sign3A_13 : i32
    %ne3A = arith.cmpi ne, %sign3A_7, %sign3A_14 : i32
    %rem3A = arith.remsi %add3A_1, %jit3A : i32
    %ne3A_15 = arith.constant 0 : i32
    %ne3A_16 = arith.cmpi ne, %rem3A, %ne3A_15 : i32
    %and3A = arith.andi %ne3A, %ne3A_16 : i1
    %sub3A = arith.constant 1 : i32
    %sub3A_17 = arith.subi %div3A, %sub3A : i32
    %select_n3A = arith.select %and3A, %sub3A_17, %div3A : i32
    %mul3A_18 = arith.constant 32 : i32
    %mul3A_19 = arith.muli %mul3A_18, %arg0 : i32
    %add3A_20 = arith.constant 8 : i32
    %add3A_21 = arith.addi %mul3A_19, %add3A_20 : i32
    %get3A = arith.index_cast %add3A_21 : i32 to index
    %get3A_22 = memref.load %arg1[%get3A] : memref<128xi32, #tpu.memory_space<smem>>
    %jit3A_23 = arith.constant 128 : i32
    %div3A_24 = arith.divsi %get3A_22, %jit3A_23 : i32
    %sign3A_25 = arith.constant 0 : i32
    %sign3A_26 = arith.cmpi sgt, %get3A_22, %sign3A_25 : i32
    %sign3A_27 = arith.extui %sign3A_26 : i1 to i32
    %sign3A_28 = arith.constant 0 : i32
    %sign3A_29 = arith.cmpi slt, %get3A_22, %sign3A_28 : i32
    %sign3A_30 = arith.extui %sign3A_29 : i1 to i32
    %sign3A_31 = arith.subi %sign3A_27, %sign3A_30 : i32
    %sign3A_32 = arith.constant 0 : i32
    %sign3A_33 = arith.cmpi sgt, %jit3A_23, %sign3A_32 : i32
    %sign3A_34 = arith.extui %sign3A_33 : i1 to i32
    %sign3A_35 = arith.constant 0 : i32
    %sign3A_36 = arith.cmpi slt, %jit3A_23, %sign3A_35 : i32
    %sign3A_37 = arith.extui %sign3A_36 : i1 to i32
    %sign3A_38 = arith.subi %sign3A_34, %sign3A_37 : i32
    %ne3A_39 = arith.cmpi ne, %sign3A_31, %sign3A_38 : i32
    %rem3A_40 = arith.remsi %get3A_22, %jit3A_23 : i32
    %ne3A_41 = arith.constant 0 : i32
    %ne3A_42 = arith.cmpi ne, %rem3A_40, %ne3A_41 : i32
    %and3A_43 = arith.andi %ne3A_39, %ne3A_42 : i1
    %sub3A_44 = arith.constant 1 : i32
    %sub3A_45 = arith.subi %div3A_24, %sub3A_44 : i32
    %select_n3A_46 = arith.select %and3A_43, %sub3A_45, %div3A_24 : i32
    %c0_i32 = arith.constant 0 : i32
    return %select_n3A, %select_n3A_46 : i32, i32
  }
  func.func @transform_9(%arg0: i32, %arg1: memref<128xi32, #tpu.memory_space<smem>>) -> (i32, i32) {
    %mul3A = arith.constant 32 : i32
    %mul3A_0 = arith.muli %mul3A, %arg0 : i32
    %add3A = arith.constant 9 : i32
    %add3A_1 = arith.addi %mul3A_0, %add3A : i32
    %jit3A = arith.constant 8 : i32
    %div3A = arith.divsi %add3A_1, %jit3A : i32
    %sign3A = arith.constant 0 : i32
    %sign3A_2 = arith.cmpi sgt, %add3A_1, %sign3A : i32
    %sign3A_3 = arith.extui %sign3A_2 : i1 to i32
    %sign3A_4 = arith.constant 0 : i32
    %sign3A_5 = arith.cmpi slt, %add3A_1, %sign3A_4 : i32
    %sign3A_6 = arith.extui %sign3A_5 : i1 to i32
    %sign3A_7 = arith.subi %sign3A_3, %sign3A_6 : i32
    %sign3A_8 = arith.constant 0 : i32
    %sign3A_9 = arith.cmpi sgt, %jit3A, %sign3A_8 : i32
    %sign3A_10 = arith.extui %sign3A_9 : i1 to i32
    %sign3A_11 = arith.constant 0 : i32
    %sign3A_12 = arith.cmpi slt, %jit3A, %sign3A_11 : i32
    %sign3A_13 = arith.extui %sign3A_12 : i1 to i32
    %sign3A_14 = arith.subi %sign3A_10, %sign3A_13 : i32
    %ne3A = arith.cmpi ne, %sign3A_7, %sign3A_14 : i32
    %rem3A = arith.remsi %add3A_1, %jit3A : i32
    %ne3A_15 = arith.constant 0 : i32
    %ne3A_16 = arith.cmpi ne, %rem3A, %ne3A_15 : i32
    %and3A = arith.andi %ne3A, %ne3A_16 : i1
    %sub3A = arith.constant 1 : i32
    %sub3A_17 = arith.subi %div3A, %sub3A : i32
    %select_n3A = arith.select %and3A, %sub3A_17, %div3A : i32
    %mul3A_18 = arith.constant 32 : i32
    %mul3A_19 = arith.muli %mul3A_18, %arg0 : i32
    %add3A_20 = arith.constant 9 : i32
    %add3A_21 = arith.addi %mul3A_19, %add3A_20 : i32
    %get3A = arith.index_cast %add3A_21 : i32 to index
    %get3A_22 = memref.load %arg1[%get3A] : memref<128xi32, #tpu.memory_space<smem>>
    %jit3A_23 = arith.constant 128 : i32
    %div3A_24 = arith.divsi %get3A_22, %jit3A_23 : i32
    %sign3A_25 = arith.constant 0 : i32
    %sign3A_26 = arith.cmpi sgt, %get3A_22, %sign3A_25 : i32
    %sign3A_27 = arith.extui %sign3A_26 : i1 to i32
    %sign3A_28 = arith.constant 0 : i32
    %sign3A_29 = arith.cmpi slt, %get3A_22, %sign3A_28 : i32
    %sign3A_30 = arith.extui %sign3A_29 : i1 to i32
    %sign3A_31 = arith.subi %sign3A_27, %sign3A_30 : i32
    %sign3A_32 = arith.constant 0 : i32
    %sign3A_33 = arith.cmpi sgt, %jit3A_23, %sign3A_32 : i32
    %sign3A_34 = arith.extui %sign3A_33 : i1 to i32
    %sign3A_35 = arith.constant 0 : i32
    %sign3A_36 = arith.cmpi slt, %jit3A_23, %sign3A_35 : i32
    %sign3A_37 = arith.extui %sign3A_36 : i1 to i32
    %sign3A_38 = arith.subi %sign3A_34, %sign3A_37 : i32
    %ne3A_39 = arith.cmpi ne, %sign3A_31, %sign3A_38 : i32
    %rem3A_40 = arith.remsi %get3A_22, %jit3A_23 : i32
    %ne3A_41 = arith.constant 0 : i32
    %ne3A_42 = arith.cmpi ne, %rem3A_40, %ne3A_41 : i32
    %and3A_43 = arith.andi %ne3A_39, %ne3A_42 : i1
    %sub3A_44 = arith.constant 1 : i32
    %sub3A_45 = arith.subi %div3A_24, %sub3A_44 : i32
    %select_n3A_46 = arith.select %and3A_43, %sub3A_45, %div3A_24 : i32
    %c0_i32 = arith.constant 0 : i32
    return %select_n3A, %select_n3A_46 : i32, i32
  }
  func.func @transform_10(%arg0: i32, %arg1: memref<128xi32, #tpu.memory_space<smem>>) -> (i32, i32) {
    %mul3A = arith.constant 32 : i32
    %mul3A_0 = arith.muli %mul3A, %arg0 : i32
    %add3A = arith.constant 10 : i32
    %add3A_1 = arith.addi %mul3A_0, %add3A : i32
    %jit3A = arith.constant 8 : i32
    %div3A = arith.divsi %add3A_1, %jit3A : i32
    %sign3A = arith.constant 0 : i32
    %sign3A_2 = arith.cmpi sgt, %add3A_1, %sign3A : i32
    %sign3A_3 = arith.extui %sign3A_2 : i1 to i32
    %sign3A_4 = arith.constant 0 : i32
    %sign3A_5 = arith.cmpi slt, %add3A_1, %sign3A_4 : i32
    %sign3A_6 = arith.extui %sign3A_5 : i1 to i32
    %sign3A_7 = arith.subi %sign3A_3, %sign3A_6 : i32
    %sign3A_8 = arith.constant 0 : i32
    %sign3A_9 = arith.cmpi sgt, %jit3A, %sign3A_8 : i32
    %sign3A_10 = arith.extui %sign3A_9 : i1 to i32
    %sign3A_11 = arith.constant 0 : i32
    %sign3A_12 = arith.cmpi slt, %jit3A, %sign3A_11 : i32
    %sign3A_13 = arith.extui %sign3A_12 : i1 to i32
    %sign3A_14 = arith.subi %sign3A_10, %sign3A_13 : i32
    %ne3A = arith.cmpi ne, %sign3A_7, %sign3A_14 : i32
    %rem3A = arith.remsi %add3A_1, %jit3A : i32
    %ne3A_15 = arith.constant 0 : i32
    %ne3A_16 = arith.cmpi ne, %rem3A, %ne3A_15 : i32
    %and3A = arith.andi %ne3A, %ne3A_16 : i1
    %sub3A = arith.constant 1 : i32
    %sub3A_17 = arith.subi %div3A, %sub3A : i32
    %select_n3A = arith.select %and3A, %sub3A_17, %div3A : i32
    %mul3A_18 = arith.constant 32 : i32
    %mul3A_19 = arith.muli %mul3A_18, %arg0 : i32
    %add3A_20 = arith.constant 10 : i32
    %add3A_21 = arith.addi %mul3A_19, %add3A_20 : i32
    %get3A = arith.index_cast %add3A_21 : i32 to index
    %get3A_22 = memref.load %arg1[%get3A] : memref<128xi32, #tpu.memory_space<smem>>
    %jit3A_23 = arith.constant 128 : i32
    %div3A_24 = arith.divsi %get3A_22, %jit3A_23 : i32
    %sign3A_25 = arith.constant 0 : i32
    %sign3A_26 = arith.cmpi sgt, %get3A_22, %sign3A_25 : i32
    %sign3A_27 = arith.extui %sign3A_26 : i1 to i32
    %sign3A_28 = arith.constant 0 : i32
    %sign3A_29 = arith.cmpi slt, %get3A_22, %sign3A_28 : i32
    %sign3A_30 = arith.extui %sign3A_29 : i1 to i32
    %sign3A_31 = arith.subi %sign3A_27, %sign3A_30 : i32
    %sign3A_32 = arith.constant 0 : i32
    %sign3A_33 = arith.cmpi sgt, %jit3A_23, %sign3A_32 : i32
    %sign3A_34 = arith.extui %sign3A_33 : i1 to i32
    %sign3A_35 = arith.constant 0 : i32
    %sign3A_36 = arith.cmpi slt, %jit3A_23, %sign3A_35 : i32
    %sign3A_37 = arith.extui %sign3A_36 : i1 to i32
    %sign3A_38 = arith.subi %sign3A_34, %sign3A_37 : i32
    %ne3A_39 = arith.cmpi ne, %sign3A_31, %sign3A_38 : i32
    %rem3A_40 = arith.remsi %get3A_22, %jit3A_23 : i32
    %ne3A_41 = arith.constant 0 : i32
    %ne3A_42 = arith.cmpi ne, %rem3A_40, %ne3A_41 : i32
    %and3A_43 = arith.andi %ne3A_39, %ne3A_42 : i1
    %sub3A_44 = arith.constant 1 : i32
    %sub3A_45 = arith.subi %div3A_24, %sub3A_44 : i32
    %select_n3A_46 = arith.select %and3A_43, %sub3A_45, %div3A_24 : i32
    %c0_i32 = arith.constant 0 : i32
    return %select_n3A, %select_n3A_46 : i32, i32
  }
  func.func @transform_11(%arg0: i32, %arg1: memref<128xi32, #tpu.memory_space<smem>>) -> (i32, i32) {
    %mul3A = arith.constant 32 : i32
    %mul3A_0 = arith.muli %mul3A, %arg0 : i32
    %add3A = arith.constant 11 : i32
    %add3A_1 = arith.addi %mul3A_0, %add3A : i32
    %jit3A = arith.constant 8 : i32
    %div3A = arith.divsi %add3A_1, %jit3A : i32
    %sign3A = arith.constant 0 : i32
    %sign3A_2 = arith.cmpi sgt, %add3A_1, %sign3A : i32
    %sign3A_3 = arith.extui %sign3A_2 : i1 to i32
    %sign3A_4 = arith.constant 0 : i32
    %sign3A_5 = arith.cmpi slt, %add3A_1, %sign3A_4 : i32
    %sign3A_6 = arith.extui %sign3A_5 : i1 to i32
    %sign3A_7 = arith.subi %sign3A_3, %sign3A_6 : i32
    %sign3A_8 = arith.constant 0 : i32
    %sign3A_9 = arith.cmpi sgt, %jit3A, %sign3A_8 : i32
    %sign3A_10 = arith.extui %sign3A_9 : i1 to i32
    %sign3A_11 = arith.constant 0 : i32
    %sign3A_12 = arith.cmpi slt, %jit3A, %sign3A_11 : i32
    %sign3A_13 = arith.extui %sign3A_12 : i1 to i32
    %sign3A_14 = arith.subi %sign3A_10, %sign3A_13 : i32
    %ne3A = arith.cmpi ne, %sign3A_7, %sign3A_14 : i32
    %rem3A = arith.remsi %add3A_1, %jit3A : i32
    %ne3A_15 = arith.constant 0 : i32
    %ne3A_16 = arith.cmpi ne, %rem3A, %ne3A_15 : i32
    %and3A = arith.andi %ne3A, %ne3A_16 : i1
    %sub3A = arith.constant 1 : i32
    %sub3A_17 = arith.subi %div3A, %sub3A : i32
    %select_n3A = arith.select %and3A, %sub3A_17, %div3A : i32
    %mul3A_18 = arith.constant 32 : i32
    %mul3A_19 = arith.muli %mul3A_18, %arg0 : i32
    %add3A_20 = arith.constant 11 : i32
    %add3A_21 = arith.addi %mul3A_19, %add3A_20 : i32
    %get3A = arith.index_cast %add3A_21 : i32 to index
    %get3A_22 = memref.load %arg1[%get3A] : memref<128xi32, #tpu.memory_space<smem>>
    %jit3A_23 = arith.constant 128 : i32
    %div3A_24 = arith.divsi %get3A_22, %jit3A_23 : i32
    %sign3A_25 = arith.constant 0 : i32
    %sign3A_26 = arith.cmpi sgt, %get3A_22, %sign3A_25 : i32
    %sign3A_27 = arith.extui %sign3A_26 : i1 to i32
    %sign3A_28 = arith.constant 0 : i32
    %sign3A_29 = arith.cmpi slt, %get3A_22, %sign3A_28 : i32
    %sign3A_30 = arith.extui %sign3A_29 : i1 to i32
    %sign3A_31 = arith.subi %sign3A_27, %sign3A_30 : i32
    %sign3A_32 = arith.constant 0 : i32
    %sign3A_33 = arith.cmpi sgt, %jit3A_23, %sign3A_32 : i32
    %sign3A_34 = arith.extui %sign3A_33 : i1 to i32
    %sign3A_35 = arith.constant 0 : i32
    %sign3A_36 = arith.cmpi slt, %jit3A_23, %sign3A_35 : i32
    %sign3A_37 = arith.extui %sign3A_36 : i1 to i32
    %sign3A_38 = arith.subi %sign3A_34, %sign3A_37 : i32
    %ne3A_39 = arith.cmpi ne, %sign3A_31, %sign3A_38 : i32
    %rem3A_40 = arith.remsi %get3A_22, %jit3A_23 : i32
    %ne3A_41 = arith.constant 0 : i32
    %ne3A_42 = arith.cmpi ne, %rem3A_40, %ne3A_41 : i32
    %and3A_43 = arith.andi %ne3A_39, %ne3A_42 : i1
    %sub3A_44 = arith.constant 1 : i32
    %sub3A_45 = arith.subi %div3A_24, %sub3A_44 : i32
    %select_n3A_46 = arith.select %and3A_43, %sub3A_45, %div3A_24 : i32
    %c0_i32 = arith.constant 0 : i32
    return %select_n3A, %select_n3A_46 : i32, i32
  }
  func.func @transform_12(%arg0: i32, %arg1: memref<128xi32, #tpu.memory_space<smem>>) -> (i32, i32) {
    %mul3A = arith.constant 32 : i32
    %mul3A_0 = arith.muli %mul3A, %arg0 : i32
    %add3A = arith.constant 12 : i32
    %add3A_1 = arith.addi %mul3A_0, %add3A : i32
    %jit3A = arith.constant 8 : i32
    %div3A = arith.divsi %add3A_1, %jit3A : i32
    %sign3A = arith.constant 0 : i32
    %sign3A_2 = arith.cmpi sgt, %add3A_1, %sign3A : i32
    %sign3A_3 = arith.extui %sign3A_2 : i1 to i32
    %sign3A_4 = arith.constant 0 : i32
    %sign3A_5 = arith.cmpi slt, %add3A_1, %sign3A_4 : i32
    %sign3A_6 = arith.extui %sign3A_5 : i1 to i32
    %sign3A_7 = arith.subi %sign3A_3, %sign3A_6 : i32
    %sign3A_8 = arith.constant 0 : i32
    %sign3A_9 = arith.cmpi sgt, %jit3A, %sign3A_8 : i32
    %sign3A_10 = arith.extui %sign3A_9 : i1 to i32
    %sign3A_11 = arith.constant 0 : i32
    %sign3A_12 = arith.cmpi slt, %jit3A, %sign3A_11 : i32
    %sign3A_13 = arith.extui %sign3A_12 : i1 to i32
    %sign3A_14 = arith.subi %sign3A_10, %sign3A_13 : i32
    %ne3A = arith.cmpi ne, %sign3A_7, %sign3A_14 : i32
    %rem3A = arith.remsi %add3A_1, %jit3A : i32
    %ne3A_15 = arith.constant 0 : i32
    %ne3A_16 = arith.cmpi ne, %rem3A, %ne3A_15 : i32
    %and3A = arith.andi %ne3A, %ne3A_16 : i1
    %sub3A = arith.constant 1 : i32
    %sub3A_17 = arith.subi %div3A, %sub3A : i32
    %select_n3A = arith.select %and3A, %sub3A_17, %div3A : i32
    %mul3A_18 = arith.constant 32 : i32
    %mul3A_19 = arith.muli %mul3A_18, %arg0 : i32
    %add3A_20 = arith.constant 12 : i32
    %add3A_21 = arith.addi %mul3A_19, %add3A_20 : i32
    %get3A = arith.index_cast %add3A_21 : i32 to index
    %get3A_22 = memref.load %arg1[%get3A] : memref<128xi32, #tpu.memory_space<smem>>
    %jit3A_23 = arith.constant 128 : i32
    %div3A_24 = arith.divsi %get3A_22, %jit3A_23 : i32
    %sign3A_25 = arith.constant 0 : i32
    %sign3A_26 = arith.cmpi sgt, %get3A_22, %sign3A_25 : i32
    %sign3A_27 = arith.extui %sign3A_26 : i1 to i32
    %sign3A_28 = arith.constant 0 : i32
    %sign3A_29 = arith.cmpi slt, %get3A_22, %sign3A_28 : i32
    %sign3A_30 = arith.extui %sign3A_29 : i1 to i32
    %sign3A_31 = arith.subi %sign3A_27, %sign3A_30 : i32
    %sign3A_32 = arith.constant 0 : i32
    %sign3A_33 = arith.cmpi sgt, %jit3A_23, %sign3A_32 : i32
    %sign3A_34 = arith.extui %sign3A_33 : i1 to i32
    %sign3A_35 = arith.constant 0 : i32
    %sign3A_36 = arith.cmpi slt, %jit3A_23, %sign3A_35 : i32
    %sign3A_37 = arith.extui %sign3A_36 : i1 to i32
    %sign3A_38 = arith.subi %sign3A_34, %sign3A_37 : i32
    %ne3A_39 = arith.cmpi ne, %sign3A_31, %sign3A_38 : i32
    %rem3A_40 = arith.remsi %get3A_22, %jit3A_23 : i32
    %ne3A_41 = arith.constant 0 : i32
    %ne3A_42 = arith.cmpi ne, %rem3A_40, %ne3A_41 : i32
    %and3A_43 = arith.andi %ne3A_39, %ne3A_42 : i1
    %sub3A_44 = arith.constant 1 : i32
    %sub3A_45 = arith.subi %div3A_24, %sub3A_44 : i32
    %select_n3A_46 = arith.select %and3A_43, %sub3A_45, %div3A_24 : i32
    %c0_i32 = arith.constant 0 : i32
    return %select_n3A, %select_n3A_46 : i32, i32
  }
  func.func @transform_13(%arg0: i32, %arg1: memref<128xi32, #tpu.memory_space<smem>>) -> (i32, i32) {
    %mul3A = arith.constant 32 : i32
    %mul3A_0 = arith.muli %mul3A, %arg0 : i32
    %add3A = arith.constant 13 : i32
    %add3A_1 = arith.addi %mul3A_0, %add3A : i32
    %jit3A = arith.constant 8 : i32
    %div3A = arith.divsi %add3A_1, %jit3A : i32
    %sign3A = arith.constant 0 : i32
    %sign3A_2 = arith.cmpi sgt, %add3A_1, %sign3A : i32
    %sign3A_3 = arith.extui %sign3A_2 : i1 to i32
    %sign3A_4 = arith.constant 0 : i32
    %sign3A_5 = arith.cmpi slt, %add3A_1, %sign3A_4 : i32
    %sign3A_6 = arith.extui %sign3A_5 : i1 to i32
    %sign3A_7 = arith.subi %sign3A_3, %sign3A_6 : i32
    %sign3A_8 = arith.constant 0 : i32
    %sign3A_9 = arith.cmpi sgt, %jit3A, %sign3A_8 : i32
    %sign3A_10 = arith.extui %sign3A_9 : i1 to i32
    %sign3A_11 = arith.constant 0 : i32
    %sign3A_12 = arith.cmpi slt, %jit3A, %sign3A_11 : i32
    %sign3A_13 = arith.extui %sign3A_12 : i1 to i32
    %sign3A_14 = arith.subi %sign3A_10, %sign3A_13 : i32
    %ne3A = arith.cmpi ne, %sign3A_7, %sign3A_14 : i32
    %rem3A = arith.remsi %add3A_1, %jit3A : i32
    %ne3A_15 = arith.constant 0 : i32
    %ne3A_16 = arith.cmpi ne, %rem3A, %ne3A_15 : i32
    %and3A = arith.andi %ne3A, %ne3A_16 : i1
    %sub3A = arith.constant 1 : i32
    %sub3A_17 = arith.subi %div3A, %sub3A : i32
    %select_n3A = arith.select %and3A, %sub3A_17, %div3A : i32
    %mul3A_18 = arith.constant 32 : i32
    %mul3A_19 = arith.muli %mul3A_18, %arg0 : i32
    %add3A_20 = arith.constant 13 : i32
    %add3A_21 = arith.addi %mul3A_19, %add3A_20 : i32
    %get3A = arith.index_cast %add3A_21 : i32 to index
    %get3A_22 = memref.load %arg1[%get3A] : memref<128xi32, #tpu.memory_space<smem>>
    %jit3A_23 = arith.constant 128 : i32
    %div3A_24 = arith.divsi %get3A_22, %jit3A_23 : i32
    %sign3A_25 = arith.constant 0 : i32
    %sign3A_26 = arith.cmpi sgt, %get3A_22, %sign3A_25 : i32
    %sign3A_27 = arith.extui %sign3A_26 : i1 to i32
    %sign3A_28 = arith.constant 0 : i32
    %sign3A_29 = arith.cmpi slt, %get3A_22, %sign3A_28 : i32
    %sign3A_30 = arith.extui %sign3A_29 : i1 to i32
    %sign3A_31 = arith.subi %sign3A_27, %sign3A_30 : i32
    %sign3A_32 = arith.constant 0 : i32
    %sign3A_33 = arith.cmpi sgt, %jit3A_23, %sign3A_32 : i32
    %sign3A_34 = arith.extui %sign3A_33 : i1 to i32
    %sign3A_35 = arith.constant 0 : i32
    %sign3A_36 = arith.cmpi slt, %jit3A_23, %sign3A_35 : i32
    %sign3A_37 = arith.extui %sign3A_36 : i1 to i32
    %sign3A_38 = arith.subi %sign3A_34, %sign3A_37 : i32
    %ne3A_39 = arith.cmpi ne, %sign3A_31, %sign3A_38 : i32
    %rem3A_40 = arith.remsi %get3A_22, %jit3A_23 : i32
    %ne3A_41 = arith.constant 0 : i32
    %ne3A_42 = arith.cmpi ne, %rem3A_40, %ne3A_41 : i32
    %and3A_43 = arith.andi %ne3A_39, %ne3A_42 : i1
    %sub3A_44 = arith.constant 1 : i32
    %sub3A_45 = arith.subi %div3A_24, %sub3A_44 : i32
    %select_n3A_46 = arith.select %and3A_43, %sub3A_45, %div3A_24 : i32
    %c0_i32 = arith.constant 0 : i32
    return %select_n3A, %select_n3A_46 : i32, i32
  }
  func.func @transform_14(%arg0: i32, %arg1: memref<128xi32, #tpu.memory_space<smem>>) -> (i32, i32) {
    %mul3A = arith.constant 32 : i32
    %mul3A_0 = arith.muli %mul3A, %arg0 : i32
    %add3A = arith.constant 14 : i32
    %add3A_1 = arith.addi %mul3A_0, %add3A : i32
    %jit3A = arith.constant 8 : i32
    %div3A = arith.divsi %add3A_1, %jit3A : i32
    %sign3A = arith.constant 0 : i32
    %sign3A_2 = arith.cmpi sgt, %add3A_1, %sign3A : i32
    %sign3A_3 = arith.extui %sign3A_2 : i1 to i32
    %sign3A_4 = arith.constant 0 : i32
    %sign3A_5 = arith.cmpi slt, %add3A_1, %sign3A_4 : i32
    %sign3A_6 = arith.extui %sign3A_5 : i1 to i32
    %sign3A_7 = arith.subi %sign3A_3, %sign3A_6 : i32
    %sign3A_8 = arith.constant 0 : i32
    %sign3A_9 = arith.cmpi sgt, %jit3A, %sign3A_8 : i32
    %sign3A_10 = arith.extui %sign3A_9 : i1 to i32
    %sign3A_11 = arith.constant 0 : i32
    %sign3A_12 = arith.cmpi slt, %jit3A, %sign3A_11 : i32
    %sign3A_13 = arith.extui %sign3A_12 : i1 to i32
    %sign3A_14 = arith.subi %sign3A_10, %sign3A_13 : i32
    %ne3A = arith.cmpi ne, %sign3A_7, %sign3A_14 : i32
    %rem3A = arith.remsi %add3A_1, %jit3A : i32
    %ne3A_15 = arith.constant 0 : i32
    %ne3A_16 = arith.cmpi ne, %rem3A, %ne3A_15 : i32
    %and3A = arith.andi %ne3A, %ne3A_16 : i1
    %sub3A = arith.constant 1 : i32
    %sub3A_17 = arith.subi %div3A, %sub3A : i32
    %select_n3A = arith.select %and3A, %sub3A_17, %div3A : i32
    %mul3A_18 = arith.constant 32 : i32
    %mul3A_19 = arith.muli %mul3A_18, %arg0 : i32
    %add3A_20 = arith.constant 14 : i32
    %add3A_21 = arith.addi %mul3A_19, %add3A_20 : i32
    %get3A = arith.index_cast %add3A_21 : i32 to index
    %get3A_22 = memref.load %arg1[%get3A] : memref<128xi32, #tpu.memory_space<smem>>
    %jit3A_23 = arith.constant 128 : i32
    %div3A_24 = arith.divsi %get3A_22, %jit3A_23 : i32
    %sign3A_25 = arith.constant 0 : i32
    %sign3A_26 = arith.cmpi sgt, %get3A_22, %sign3A_25 : i32
    %sign3A_27 = arith.extui %sign3A_26 : i1 to i32
    %sign3A_28 = arith.constant 0 : i32
    %sign3A_29 = arith.cmpi slt, %get3A_22, %sign3A_28 : i32
    %sign3A_30 = arith.extui %sign3A_29 : i1 to i32
    %sign3A_31 = arith.subi %sign3A_27, %sign3A_30 : i32
    %sign3A_32 = arith.constant 0 : i32
    %sign3A_33 = arith.cmpi sgt, %jit3A_23, %sign3A_32 : i32
    %sign3A_34 = arith.extui %sign3A_33 : i1 to i32
    %sign3A_35 = arith.constant 0 : i32
    %sign3A_36 = arith.cmpi slt, %jit3A_23, %sign3A_35 : i32
    %sign3A_37 = arith.extui %sign3A_36 : i1 to i32
    %sign3A_38 = arith.subi %sign3A_34, %sign3A_37 : i32
    %ne3A_39 = arith.cmpi ne, %sign3A_31, %sign3A_38 : i32
    %rem3A_40 = arith.remsi %get3A_22, %jit3A_23 : i32
    %ne3A_41 = arith.constant 0 : i32
    %ne3A_42 = arith.cmpi ne, %rem3A_40, %ne3A_41 : i32
    %and3A_43 = arith.andi %ne3A_39, %ne3A_42 : i1
    %sub3A_44 = arith.constant 1 : i32
    %sub3A_45 = arith.subi %div3A_24, %sub3A_44 : i32
    %select_n3A_46 = arith.select %and3A_43, %sub3A_45, %div3A_24 : i32
    %c0_i32 = arith.constant 0 : i32
    return %select_n3A, %select_n3A_46 : i32, i32
  }
  func.func @transform_15(%arg0: i32, %arg1: memref<128xi32, #tpu.memory_space<smem>>) -> (i32, i32) {
    %mul3A = arith.constant 32 : i32
    %mul3A_0 = arith.muli %mul3A, %arg0 : i32
    %add3A = arith.constant 15 : i32
    %add3A_1 = arith.addi %mul3A_0, %add3A : i32
    %jit3A = arith.constant 8 : i32
    %div3A = arith.divsi %add3A_1, %jit3A : i32
    %sign3A = arith.constant 0 : i32
    %sign3A_2 = arith.cmpi sgt, %add3A_1, %sign3A : i32
    %sign3A_3 = arith.extui %sign3A_2 : i1 to i32
    %sign3A_4 = arith.constant 0 : i32
    %sign3A_5 = arith.cmpi slt, %add3A_1, %sign3A_4 : i32
    %sign3A_6 = arith.extui %sign3A_5 : i1 to i32
    %sign3A_7 = arith.subi %sign3A_3, %sign3A_6 : i32
    %sign3A_8 = arith.constant 0 : i32
    %sign3A_9 = arith.cmpi sgt, %jit3A, %sign3A_8 : i32
    %sign3A_10 = arith.extui %sign3A_9 : i1 to i32
    %sign3A_11 = arith.constant 0 : i32
    %sign3A_12 = arith.cmpi slt, %jit3A, %sign3A_11 : i32
    %sign3A_13 = arith.extui %sign3A_12 : i1 to i32
    %sign3A_14 = arith.subi %sign3A_10, %sign3A_13 : i32
    %ne3A = arith.cmpi ne, %sign3A_7, %sign3A_14 : i32
    %rem3A = arith.remsi %add3A_1, %jit3A : i32
    %ne3A_15 = arith.constant 0 : i32
    %ne3A_16 = arith.cmpi ne, %rem3A, %ne3A_15 : i32
    %and3A = arith.andi %ne3A, %ne3A_16 : i1
    %sub3A = arith.constant 1 : i32
    %sub3A_17 = arith.subi %div3A, %sub3A : i32
    %select_n3A = arith.select %and3A, %sub3A_17, %div3A : i32
    %mul3A_18 = arith.constant 32 : i32
    %mul3A_19 = arith.muli %mul3A_18, %arg0 : i32
    %add3A_20 = arith.constant 15 : i32
    %add3A_21 = arith.addi %mul3A_19, %add3A_20 : i32
    %get3A = arith.index_cast %add3A_21 : i32 to index
    %get3A_22 = memref.load %arg1[%get3A] : memref<128xi32, #tpu.memory_space<smem>>
    %jit3A_23 = arith.constant 128 : i32
    %div3A_24 = arith.divsi %get3A_22, %jit3A_23 : i32
    %sign3A_25 = arith.constant 0 : i32
    %sign3A_26 = arith.cmpi sgt, %get3A_22, %sign3A_25 : i32
    %sign3A_27 = arith.extui %sign3A_26 : i1 to i32
    %sign3A_28 = arith.constant 0 : i32
    %sign3A_29 = arith.cmpi slt, %get3A_22, %sign3A_28 : i32
    %sign3A_30 = arith.extui %sign3A_29 : i1 to i32
    %sign3A_31 = arith.subi %sign3A_27, %sign3A_30 : i32
    %sign3A_32 = arith.constant 0 : i32
    %sign3A_33 = arith.cmpi sgt, %jit3A_23, %sign3A_32 : i32
    %sign3A_34 = arith.extui %sign3A_33 : i1 to i32
    %sign3A_35 = arith.constant 0 : i32
    %sign3A_36 = arith.cmpi slt, %jit3A_23, %sign3A_35 : i32
    %sign3A_37 = arith.extui %sign3A_36 : i1 to i32
    %sign3A_38 = arith.subi %sign3A_34, %sign3A_37 : i32
    %ne3A_39 = arith.cmpi ne, %sign3A_31, %sign3A_38 : i32
    %rem3A_40 = arith.remsi %get3A_22, %jit3A_23 : i32
    %ne3A_41 = arith.constant 0 : i32
    %ne3A_42 = arith.cmpi ne, %rem3A_40, %ne3A_41 : i32
    %and3A_43 = arith.andi %ne3A_39, %ne3A_42 : i1
    %sub3A_44 = arith.constant 1 : i32
    %sub3A_45 = arith.subi %div3A_24, %sub3A_44 : i32
    %select_n3A_46 = arith.select %and3A_43, %sub3A_45, %div3A_24 : i32
    %c0_i32 = arith.constant 0 : i32
    return %select_n3A, %select_n3A_46 : i32, i32
  }
  func.func @transform_16(%arg0: i32, %arg1: memref<128xi32, #tpu.memory_space<smem>>) -> (i32, i32) {
    %mul3A = arith.constant 32 : i32
    %mul3A_0 = arith.muli %mul3A, %arg0 : i32
    %add3A = arith.constant 16 : i32
    %add3A_1 = arith.addi %mul3A_0, %add3A : i32
    %jit3A = arith.constant 8 : i32
    %div3A = arith.divsi %add3A_1, %jit3A : i32
    %sign3A = arith.constant 0 : i32
    %sign3A_2 = arith.cmpi sgt, %add3A_1, %sign3A : i32
    %sign3A_3 = arith.extui %sign3A_2 : i1 to i32
    %sign3A_4 = arith.constant 0 : i32
    %sign3A_5 = arith.cmpi slt, %add3A_1, %sign3A_4 : i32
    %sign3A_6 = arith.extui %sign3A_5 : i1 to i32
    %sign3A_7 = arith.subi %sign3A_3, %sign3A_6 : i32
    %sign3A_8 = arith.constant 0 : i32
    %sign3A_9 = arith.cmpi sgt, %jit3A, %sign3A_8 : i32
    %sign3A_10 = arith.extui %sign3A_9 : i1 to i32
    %sign3A_11 = arith.constant 0 : i32
    %sign3A_12 = arith.cmpi slt, %jit3A, %sign3A_11 : i32
    %sign3A_13 = arith.extui %sign3A_12 : i1 to i32
    %sign3A_14 = arith.subi %sign3A_10, %sign3A_13 : i32
    %ne3A = arith.cmpi ne, %sign3A_7, %sign3A_14 : i32
    %rem3A = arith.remsi %add3A_1, %jit3A : i32
    %ne3A_15 = arith.constant 0 : i32
    %ne3A_16 = arith.cmpi ne, %rem3A, %ne3A_15 : i32
    %and3A = arith.andi %ne3A, %ne3A_16 : i1
    %sub3A = arith.constant 1 : i32
    %sub3A_17 = arith.subi %div3A, %sub3A : i32
    %select_n3A = arith.select %and3A, %sub3A_17, %div3A : i32
    %mul3A_18 = arith.constant 32 : i32
    %mul3A_19 = arith.muli %mul3A_18, %arg0 : i32
    %add3A_20 = arith.constant 16 : i32
    %add3A_21 = arith.addi %mul3A_19, %add3A_20 : i32
    %get3A = arith.index_cast %add3A_21 : i32 to index
    %get3A_22 = memref.load %arg1[%get3A] : memref<128xi32, #tpu.memory_space<smem>>
    %jit3A_23 = arith.constant 128 : i32
    %div3A_24 = arith.divsi %get3A_22, %jit3A_23 : i32
    %sign3A_25 = arith.constant 0 : i32
    %sign3A_26 = arith.cmpi sgt, %get3A_22, %sign3A_25 : i32
    %sign3A_27 = arith.extui %sign3A_26 : i1 to i32
    %sign3A_28 = arith.constant 0 : i32
    %sign3A_29 = arith.cmpi slt, %get3A_22, %sign3A_28 : i32
    %sign3A_30 = arith.extui %sign3A_29 : i1 to i32
    %sign3A_31 = arith.subi %sign3A_27, %sign3A_30 : i32
    %sign3A_32 = arith.constant 0 : i32
    %sign3A_33 = arith.cmpi sgt, %jit3A_23, %sign3A_32 : i32
    %sign3A_34 = arith.extui %sign3A_33 : i1 to i32
    %sign3A_35 = arith.constant 0 : i32
    %sign3A_36 = arith.cmpi slt, %jit3A_23, %sign3A_35 : i32
    %sign3A_37 = arith.extui %sign3A_36 : i1 to i32
    %sign3A_38 = arith.subi %sign3A_34, %sign3A_37 : i32
    %ne3A_39 = arith.cmpi ne, %sign3A_31, %sign3A_38 : i32
    %rem3A_40 = arith.remsi %get3A_22, %jit3A_23 : i32
    %ne3A_41 = arith.constant 0 : i32
    %ne3A_42 = arith.cmpi ne, %rem3A_40, %ne3A_41 : i32
    %and3A_43 = arith.andi %ne3A_39, %ne3A_42 : i1
    %sub3A_44 = arith.constant 1 : i32
    %sub3A_45 = arith.subi %div3A_24, %sub3A_44 : i32
    %select_n3A_46 = arith.select %and3A_43, %sub3A_45, %div3A_24 : i32
    %c0_i32 = arith.constant 0 : i32
    return %select_n3A, %select_n3A_46 : i32, i32
  }
  func.func @transform_17(%arg0: i32, %arg1: memref<128xi32, #tpu.memory_space<smem>>) -> (i32, i32) {
    %mul3A = arith.constant 32 : i32
    %mul3A_0 = arith.muli %mul3A, %arg0 : i32
    %add3A = arith.constant 17 : i32
    %add3A_1 = arith.addi %mul3A_0, %add3A : i32
    %jit3A = arith.constant 8 : i32
    %div3A = arith.divsi %add3A_1, %jit3A : i32
    %sign3A = arith.constant 0 : i32
    %sign3A_2 = arith.cmpi sgt, %add3A_1, %sign3A : i32
    %sign3A_3 = arith.extui %sign3A_2 : i1 to i32
    %sign3A_4 = arith.constant 0 : i32
    %sign3A_5 = arith.cmpi slt, %add3A_1, %sign3A_4 : i32
    %sign3A_6 = arith.extui %sign3A_5 : i1 to i32
    %sign3A_7 = arith.subi %sign3A_3, %sign3A_6 : i32
    %sign3A_8 = arith.constant 0 : i32
    %sign3A_9 = arith.cmpi sgt, %jit3A, %sign3A_8 : i32
    %sign3A_10 = arith.extui %sign3A_9 : i1 to i32
    %sign3A_11 = arith.constant 0 : i32
    %sign3A_12 = arith.cmpi slt, %jit3A, %sign3A_11 : i32
    %sign3A_13 = arith.extui %sign3A_12 : i1 to i32
    %sign3A_14 = arith.subi %sign3A_10, %sign3A_13 : i32
    %ne3A = arith.cmpi ne, %sign3A_7, %sign3A_14 : i32
    %rem3A = arith.remsi %add3A_1, %jit3A : i32
    %ne3A_15 = arith.constant 0 : i32
    %ne3A_16 = arith.cmpi ne, %rem3A, %ne3A_15 : i32
    %and3A = arith.andi %ne3A, %ne3A_16 : i1
    %sub3A = arith.constant 1 : i32
    %sub3A_17 = arith.subi %div3A, %sub3A : i32
    %select_n3A = arith.select %and3A, %sub3A_17, %div3A : i32
    %mul3A_18 = arith.constant 32 : i32
    %mul3A_19 = arith.muli %mul3A_18, %arg0 : i32
    %add3A_20 = arith.constant 17 : i32
    %add3A_21 = arith.addi %mul3A_19, %add3A_20 : i32
    %get3A = arith.index_cast %add3A_21 : i32 to index
    %get3A_22 = memref.load %arg1[%get3A] : memref<128xi32, #tpu.memory_space<smem>>
    %jit3A_23 = arith.constant 128 : i32
    %div3A_24 = arith.divsi %get3A_22, %jit3A_23 : i32
    %sign3A_25 = arith.constant 0 : i32
    %sign3A_26 = arith.cmpi sgt, %get3A_22, %sign3A_25 : i32
    %sign3A_27 = arith.extui %sign3A_26 : i1 to i32
    %sign3A_28 = arith.constant 0 : i32
    %sign3A_29 = arith.cmpi slt, %get3A_22, %sign3A_28 : i32
    %sign3A_30 = arith.extui %sign3A_29 : i1 to i32
    %sign3A_31 = arith.subi %sign3A_27, %sign3A_30 : i32
    %sign3A_32 = arith.constant 0 : i32
    %sign3A_33 = arith.cmpi sgt, %jit3A_23, %sign3A_32 : i32
    %sign3A_34 = arith.extui %sign3A_33 : i1 to i32
    %sign3A_35 = arith.constant 0 : i32
    %sign3A_36 = arith.cmpi slt, %jit3A_23, %sign3A_35 : i32
    %sign3A_37 = arith.extui %sign3A_36 : i1 to i32
    %sign3A_38 = arith.subi %sign3A_34, %sign3A_37 : i32
    %ne3A_39 = arith.cmpi ne, %sign3A_31, %sign3A_38 : i32
    %rem3A_40 = arith.remsi %get3A_22, %jit3A_23 : i32
    %ne3A_41 = arith.constant 0 : i32
    %ne3A_42 = arith.cmpi ne, %rem3A_40, %ne3A_41 : i32
    %and3A_43 = arith.andi %ne3A_39, %ne3A_42 : i1
    %sub3A_44 = arith.constant 1 : i32
    %sub3A_45 = arith.subi %div3A_24, %sub3A_44 : i32
    %select_n3A_46 = arith.select %and3A_43, %sub3A_45, %div3A_24 : i32
    %c0_i32 = arith.constant 0 : i32
    return %select_n3A, %select_n3A_46 : i32, i32
  }
  func.func @transform_18(%arg0: i32, %arg1: memref<128xi32, #tpu.memory_space<smem>>) -> (i32, i32) {
    %mul3A = arith.constant 32 : i32
    %mul3A_0 = arith.muli %mul3A, %arg0 : i32
    %add3A = arith.constant 18 : i32
    %add3A_1 = arith.addi %mul3A_0, %add3A : i32
    %jit3A = arith.constant 8 : i32
    %div3A = arith.divsi %add3A_1, %jit3A : i32
    %sign3A = arith.constant 0 : i32
    %sign3A_2 = arith.cmpi sgt, %add3A_1, %sign3A : i32
    %sign3A_3 = arith.extui %sign3A_2 : i1 to i32
    %sign3A_4 = arith.constant 0 : i32
    %sign3A_5 = arith.cmpi slt, %add3A_1, %sign3A_4 : i32
    %sign3A_6 = arith.extui %sign3A_5 : i1 to i32
    %sign3A_7 = arith.subi %sign3A_3, %sign3A_6 : i32
    %sign3A_8 = arith.constant 0 : i32
    %sign3A_9 = arith.cmpi sgt, %jit3A, %sign3A_8 : i32
    %sign3A_10 = arith.extui %sign3A_9 : i1 to i32
    %sign3A_11 = arith.constant 0 : i32
    %sign3A_12 = arith.cmpi slt, %jit3A, %sign3A_11 : i32
    %sign3A_13 = arith.extui %sign3A_12 : i1 to i32
    %sign3A_14 = arith.subi %sign3A_10, %sign3A_13 : i32
    %ne3A = arith.cmpi ne, %sign3A_7, %sign3A_14 : i32
    %rem3A = arith.remsi %add3A_1, %jit3A : i32
    %ne3A_15 = arith.constant 0 : i32
    %ne3A_16 = arith.cmpi ne, %rem3A, %ne3A_15 : i32
    %and3A = arith.andi %ne3A, %ne3A_16 : i1
    %sub3A = arith.constant 1 : i32
    %sub3A_17 = arith.subi %div3A, %sub3A : i32
    %select_n3A = arith.select %and3A, %sub3A_17, %div3A : i32
    %mul3A_18 = arith.constant 32 : i32
    %mul3A_19 = arith.muli %mul3A_18, %arg0 : i32
    %add3A_20 = arith.constant 18 : i32
    %add3A_21 = arith.addi %mul3A_19, %add3A_20 : i32
    %get3A = arith.index_cast %add3A_21 : i32 to index
    %get3A_22 = memref.load %arg1[%get3A] : memref<128xi32, #tpu.memory_space<smem>>
    %jit3A_23 = arith.constant 128 : i32
    %div3A_24 = arith.divsi %get3A_22, %jit3A_23 : i32
    %sign3A_25 = arith.constant 0 : i32
    %sign3A_26 = arith.cmpi sgt, %get3A_22, %sign3A_25 : i32
    %sign3A_27 = arith.extui %sign3A_26 : i1 to i32
    %sign3A_28 = arith.constant 0 : i32
    %sign3A_29 = arith.cmpi slt, %get3A_22, %sign3A_28 : i32
    %sign3A_30 = arith.extui %sign3A_29 : i1 to i32
    %sign3A_31 = arith.subi %sign3A_27, %sign3A_30 : i32
    %sign3A_32 = arith.constant 0 : i32
    %sign3A_33 = arith.cmpi sgt, %jit3A_23, %sign3A_32 : i32
    %sign3A_34 = arith.extui %sign3A_33 : i1 to i32
    %sign3A_35 = arith.constant 0 : i32
    %sign3A_36 = arith.cmpi slt, %jit3A_23, %sign3A_35 : i32
    %sign3A_37 = arith.extui %sign3A_36 : i1 to i32
    %sign3A_38 = arith.subi %sign3A_34, %sign3A_37 : i32
    %ne3A_39 = arith.cmpi ne, %sign3A_31, %sign3A_38 : i32
    %rem3A_40 = arith.remsi %get3A_22, %jit3A_23 : i32
    %ne3A_41 = arith.constant 0 : i32
    %ne3A_42 = arith.cmpi ne, %rem3A_40, %ne3A_41 : i32
    %and3A_43 = arith.andi %ne3A_39, %ne3A_42 : i1
    %sub3A_44 = arith.constant 1 : i32
    %sub3A_45 = arith.subi %div3A_24, %sub3A_44 : i32
    %select_n3A_46 = arith.select %and3A_43, %sub3A_45, %div3A_24 : i32
    %c0_i32 = arith.constant 0 : i32
    return %select_n3A, %select_n3A_46 : i32, i32
  }
  func.func @transform_19(%arg0: i32, %arg1: memref<128xi32, #tpu.memory_space<smem>>) -> (i32, i32) {
    %mul3A = arith.constant 32 : i32
    %mul3A_0 = arith.muli %mul3A, %arg0 : i32
    %add3A = arith.constant 19 : i32
    %add3A_1 = arith.addi %mul3A_0, %add3A : i32
    %jit3A = arith.constant 8 : i32
    %div3A = arith.divsi %add3A_1, %jit3A : i32
    %sign3A = arith.constant 0 : i32
    %sign3A_2 = arith.cmpi sgt, %add3A_1, %sign3A : i32
    %sign3A_3 = arith.extui %sign3A_2 : i1 to i32
    %sign3A_4 = arith.constant 0 : i32
    %sign3A_5 = arith.cmpi slt, %add3A_1, %sign3A_4 : i32
    %sign3A_6 = arith.extui %sign3A_5 : i1 to i32
    %sign3A_7 = arith.subi %sign3A_3, %sign3A_6 : i32
    %sign3A_8 = arith.constant 0 : i32
    %sign3A_9 = arith.cmpi sgt, %jit3A, %sign3A_8 : i32
    %sign3A_10 = arith.extui %sign3A_9 : i1 to i32
    %sign3A_11 = arith.constant 0 : i32
    %sign3A_12 = arith.cmpi slt, %jit3A, %sign3A_11 : i32
    %sign3A_13 = arith.extui %sign3A_12 : i1 to i32
    %sign3A_14 = arith.subi %sign3A_10, %sign3A_13 : i32
    %ne3A = arith.cmpi ne, %sign3A_7, %sign3A_14 : i32
    %rem3A = arith.remsi %add3A_1, %jit3A : i32
    %ne3A_15 = arith.constant 0 : i32
    %ne3A_16 = arith.cmpi ne, %rem3A, %ne3A_15 : i32
    %and3A = arith.andi %ne3A, %ne3A_16 : i1
    %sub3A = arith.constant 1 : i32
    %sub3A_17 = arith.subi %div3A, %sub3A : i32
    %select_n3A = arith.select %and3A, %sub3A_17, %div3A : i32
    %mul3A_18 = arith.constant 32 : i32
    %mul3A_19 = arith.muli %mul3A_18, %arg0 : i32
    %add3A_20 = arith.constant 19 : i32
    %add3A_21 = arith.addi %mul3A_19, %add3A_20 : i32
    %get3A = arith.index_cast %add3A_21 : i32 to index
    %get3A_22 = memref.load %arg1[%get3A] : memref<128xi32, #tpu.memory_space<smem>>
    %jit3A_23 = arith.constant 128 : i32
    %div3A_24 = arith.divsi %get3A_22, %jit3A_23 : i32
    %sign3A_25 = arith.constant 0 : i32
    %sign3A_26 = arith.cmpi sgt, %get3A_22, %sign3A_25 : i32
    %sign3A_27 = arith.extui %sign3A_26 : i1 to i32
    %sign3A_28 = arith.constant 0 : i32
    %sign3A_29 = arith.cmpi slt, %get3A_22, %sign3A_28 : i32
    %sign3A_30 = arith.extui %sign3A_29 : i1 to i32
    %sign3A_31 = arith.subi %sign3A_27, %sign3A_30 : i32
    %sign3A_32 = arith.constant 0 : i32
    %sign3A_33 = arith.cmpi sgt, %jit3A_23, %sign3A_32 : i32
    %sign3A_34 = arith.extui %sign3A_33 : i1 to i32
    %sign3A_35 = arith.constant 0 : i32
    %sign3A_36 = arith.cmpi slt, %jit3A_23, %sign3A_35 : i32
    %sign3A_37 = arith.extui %sign3A_36 : i1 to i32
    %sign3A_38 = arith.subi %sign3A_34, %sign3A_37 : i32
    %ne3A_39 = arith.cmpi ne, %sign3A_31, %sign3A_38 : i32
    %rem3A_40 = arith.remsi %get3A_22, %jit3A_23 : i32
    %ne3A_41 = arith.constant 0 : i32
    %ne3A_42 = arith.cmpi ne, %rem3A_40, %ne3A_41 : i32
    %and3A_43 = arith.andi %ne3A_39, %ne3A_42 : i1
    %sub3A_44 = arith.constant 1 : i32
    %sub3A_45 = arith.subi %div3A_24, %sub3A_44 : i32
    %select_n3A_46 = arith.select %and3A_43, %sub3A_45, %div3A_24 : i32
    %c0_i32 = arith.constant 0 : i32
    return %select_n3A, %select_n3A_46 : i32, i32
  }
  func.func @transform_20(%arg0: i32, %arg1: memref<128xi32, #tpu.memory_space<smem>>) -> (i32, i32) {
    %mul3A = arith.constant 32 : i32
    %mul3A_0 = arith.muli %mul3A, %arg0 : i32
    %add3A = arith.constant 20 : i32
    %add3A_1 = arith.addi %mul3A_0, %add3A : i32
    %jit3A = arith.constant 8 : i32
    %div3A = arith.divsi %add3A_1, %jit3A : i32
    %sign3A = arith.constant 0 : i32
    %sign3A_2 = arith.cmpi sgt, %add3A_1, %sign3A : i32
    %sign3A_3 = arith.extui %sign3A_2 : i1 to i32
    %sign3A_4 = arith.constant 0 : i32
    %sign3A_5 = arith.cmpi slt, %add3A_1, %sign3A_4 : i32
    %sign3A_6 = arith.extui %sign3A_5 : i1 to i32
    %sign3A_7 = arith.subi %sign3A_3, %sign3A_6 : i32
    %sign3A_8 = arith.constant 0 : i32
    %sign3A_9 = arith.cmpi sgt, %jit3A, %sign3A_8 : i32
    %sign3A_10 = arith.extui %sign3A_9 : i1 to i32
    %sign3A_11 = arith.constant 0 : i32
    %sign3A_12 = arith.cmpi slt, %jit3A, %sign3A_11 : i32
    %sign3A_13 = arith.extui %sign3A_12 : i1 to i32
    %sign3A_14 = arith.subi %sign3A_10, %sign3A_13 : i32
    %ne3A = arith.cmpi ne, %sign3A_7, %sign3A_14 : i32
    %rem3A = arith.remsi %add3A_1, %jit3A : i32
    %ne3A_15 = arith.constant 0 : i32
    %ne3A_16 = arith.cmpi ne, %rem3A, %ne3A_15 : i32
    %and3A = arith.andi %ne3A, %ne3A_16 : i1
    %sub3A = arith.constant 1 : i32
    %sub3A_17 = arith.subi %div3A, %sub3A : i32
    %select_n3A = arith.select %and3A, %sub3A_17, %div3A : i32
    %mul3A_18 = arith.constant 32 : i32
    %mul3A_19 = arith.muli %mul3A_18, %arg0 : i32
    %add3A_20 = arith.constant 20 : i32
    %add3A_21 = arith.addi %mul3A_19, %add3A_20 : i32
    %get3A = arith.index_cast %add3A_21 : i32 to index
    %get3A_22 = memref.load %arg1[%get3A] : memref<128xi32, #tpu.memory_space<smem>>
    %jit3A_23 = arith.constant 128 : i32
    %div3A_24 = arith.divsi %get3A_22, %jit3A_23 : i32
    %sign3A_25 = arith.constant 0 : i32
    %sign3A_26 = arith.cmpi sgt, %get3A_22, %sign3A_25 : i32
    %sign3A_27 = arith.extui %sign3A_26 : i1 to i32
    %sign3A_28 = arith.constant 0 : i32
    %sign3A_29 = arith.cmpi slt, %get3A_22, %sign3A_28 : i32
    %sign3A_30 = arith.extui %sign3A_29 : i1 to i32
    %sign3A_31 = arith.subi %sign3A_27, %sign3A_30 : i32
    %sign3A_32 = arith.constant 0 : i32
    %sign3A_33 = arith.cmpi sgt, %jit3A_23, %sign3A_32 : i32
    %sign3A_34 = arith.extui %sign3A_33 : i1 to i32
    %sign3A_35 = arith.constant 0 : i32
    %sign3A_36 = arith.cmpi slt, %jit3A_23, %sign3A_35 : i32
    %sign3A_37 = arith.extui %sign3A_36 : i1 to i32
    %sign3A_38 = arith.subi %sign3A_34, %sign3A_37 : i32
    %ne3A_39 = arith.cmpi ne, %sign3A_31, %sign3A_38 : i32
    %rem3A_40 = arith.remsi %get3A_22, %jit3A_23 : i32
    %ne3A_41 = arith.constant 0 : i32
    %ne3A_42 = arith.cmpi ne, %rem3A_40, %ne3A_41 : i32
    %and3A_43 = arith.andi %ne3A_39, %ne3A_42 : i1
    %sub3A_44 = arith.constant 1 : i32
    %sub3A_45 = arith.subi %div3A_24, %sub3A_44 : i32
    %select_n3A_46 = arith.select %and3A_43, %sub3A_45, %div3A_24 : i32
    %c0_i32 = arith.constant 0 : i32
    return %select_n3A, %select_n3A_46 : i32, i32
  }
  func.func @transform_21(%arg0: i32, %arg1: memref<128xi32, #tpu.memory_space<smem>>) -> (i32, i32) {
    %mul3A = arith.constant 32 : i32
    %mul3A_0 = arith.muli %mul3A, %arg0 : i32
    %add3A = arith.constant 21 : i32
    %add3A_1 = arith.addi %mul3A_0, %add3A : i32
    %jit3A = arith.constant 8 : i32
    %div3A = arith.divsi %add3A_1, %jit3A : i32
    %sign3A = arith.constant 0 : i32
    %sign3A_2 = arith.cmpi sgt, %add3A_1, %sign3A : i32
    %sign3A_3 = arith.extui %sign3A_2 : i1 to i32
    %sign3A_4 = arith.constant 0 : i32
    %sign3A_5 = arith.cmpi slt, %add3A_1, %sign3A_4 : i32
    %sign3A_6 = arith.extui %sign3A_5 : i1 to i32
    %sign3A_7 = arith.subi %sign3A_3, %sign3A_6 : i32
    %sign3A_8 = arith.constant 0 : i32
    %sign3A_9 = arith.cmpi sgt, %jit3A, %sign3A_8 : i32
    %sign3A_10 = arith.extui %sign3A_9 : i1 to i32
    %sign3A_11 = arith.constant 0 : i32
    %sign3A_12 = arith.cmpi slt, %jit3A, %sign3A_11 : i32
    %sign3A_13 = arith.extui %sign3A_12 : i1 to i32
    %sign3A_14 = arith.subi %sign3A_10, %sign3A_13 : i32
    %ne3A = arith.cmpi ne, %sign3A_7, %sign3A_14 : i32
    %rem3A = arith.remsi %add3A_1, %jit3A : i32
    %ne3A_15 = arith.constant 0 : i32
    %ne3A_16 = arith.cmpi ne, %rem3A, %ne3A_15 : i32
    %and3A = arith.andi %ne3A, %ne3A_16 : i1
    %sub3A = arith.constant 1 : i32
    %sub3A_17 = arith.subi %div3A, %sub3A : i32
    %select_n3A = arith.select %and3A, %sub3A_17, %div3A : i32
    %mul3A_18 = arith.constant 32 : i32
    %mul3A_19 = arith.muli %mul3A_18, %arg0 : i32
    %add3A_20 = arith.constant 21 : i32
    %add3A_21 = arith.addi %mul3A_19, %add3A_20 : i32
    %get3A = arith.index_cast %add3A_21 : i32 to index
    %get3A_22 = memref.load %arg1[%get3A] : memref<128xi32, #tpu.memory_space<smem>>
    %jit3A_23 = arith.constant 128 : i32
    %div3A_24 = arith.divsi %get3A_22, %jit3A_23 : i32
    %sign3A_25 = arith.constant 0 : i32
    %sign3A_26 = arith.cmpi sgt, %get3A_22, %sign3A_25 : i32
    %sign3A_27 = arith.extui %sign3A_26 : i1 to i32
    %sign3A_28 = arith.constant 0 : i32
    %sign3A_29 = arith.cmpi slt, %get3A_22, %sign3A_28 : i32
    %sign3A_30 = arith.extui %sign3A_29 : i1 to i32
    %sign3A_31 = arith.subi %sign3A_27, %sign3A_30 : i32
    %sign3A_32 = arith.constant 0 : i32
    %sign3A_33 = arith.cmpi sgt, %jit3A_23, %sign3A_32 : i32
    %sign3A_34 = arith.extui %sign3A_33 : i1 to i32
    %sign3A_35 = arith.constant 0 : i32
    %sign3A_36 = arith.cmpi slt, %jit3A_23, %sign3A_35 : i32
    %sign3A_37 = arith.extui %sign3A_36 : i1 to i32
    %sign3A_38 = arith.subi %sign3A_34, %sign3A_37 : i32
    %ne3A_39 = arith.cmpi ne, %sign3A_31, %sign3A_38 : i32
    %rem3A_40 = arith.remsi %get3A_22, %jit3A_23 : i32
    %ne3A_41 = arith.constant 0 : i32
    %ne3A_42 = arith.cmpi ne, %rem3A_40, %ne3A_41 : i32
    %and3A_43 = arith.andi %ne3A_39, %ne3A_42 : i1
    %sub3A_44 = arith.constant 1 : i32
    %sub3A_45 = arith.subi %div3A_24, %sub3A_44 : i32
    %select_n3A_46 = arith.select %and3A_43, %sub3A_45, %div3A_24 : i32
    %c0_i32 = arith.constant 0 : i32
    return %select_n3A, %select_n3A_46 : i32, i32
  }
  func.func @transform_22(%arg0: i32, %arg1: memref<128xi32, #tpu.memory_space<smem>>) -> (i32, i32) {
    %mul3A = arith.constant 32 : i32
    %mul3A_0 = arith.muli %mul3A, %arg0 : i32
    %add3A = arith.constant 22 : i32
    %add3A_1 = arith.addi %mul3A_0, %add3A : i32
    %jit3A = arith.constant 8 : i32
    %div3A = arith.divsi %add3A_1, %jit3A : i32
    %sign3A = arith.constant 0 : i32
    %sign3A_2 = arith.cmpi sgt, %add3A_1, %sign3A : i32
    %sign3A_3 = arith.extui %sign3A_2 : i1 to i32
    %sign3A_4 = arith.constant 0 : i32
    %sign3A_5 = arith.cmpi slt, %add3A_1, %sign3A_4 : i32
    %sign3A_6 = arith.extui %sign3A_5 : i1 to i32
    %sign3A_7 = arith.subi %sign3A_3, %sign3A_6 : i32
    %sign3A_8 = arith.constant 0 : i32
    %sign3A_9 = arith.cmpi sgt, %jit3A, %sign3A_8 : i32
    %sign3A_10 = arith.extui %sign3A_9 : i1 to i32
    %sign3A_11 = arith.constant 0 : i32
    %sign3A_12 = arith.cmpi slt, %jit3A, %sign3A_11 : i32
    %sign3A_13 = arith.extui %sign3A_12 : i1 to i32
    %sign3A_14 = arith.subi %sign3A_10, %sign3A_13 : i32
    %ne3A = arith.cmpi ne, %sign3A_7, %sign3A_14 : i32
    %rem3A = arith.remsi %add3A_1, %jit3A : i32
    %ne3A_15 = arith.constant 0 : i32
    %ne3A_16 = arith.cmpi ne, %rem3A, %ne3A_15 : i32
    %and3A = arith.andi %ne3A, %ne3A_16 : i1
    %sub3A = arith.constant 1 : i32
    %sub3A_17 = arith.subi %div3A, %sub3A : i32
    %select_n3A = arith.select %and3A, %sub3A_17, %div3A : i32
    %mul3A_18 = arith.constant 32 : i32
    %mul3A_19 = arith.muli %mul3A_18, %arg0 : i32
    %add3A_20 = arith.constant 22 : i32
    %add3A_21 = arith.addi %mul3A_19, %add3A_20 : i32
    %get3A = arith.index_cast %add3A_21 : i32 to index
    %get3A_22 = memref.load %arg1[%get3A] : memref<128xi32, #tpu.memory_space<smem>>
    %jit3A_23 = arith.constant 128 : i32
    %div3A_24 = arith.divsi %get3A_22, %jit3A_23 : i32
    %sign3A_25 = arith.constant 0 : i32
    %sign3A_26 = arith.cmpi sgt, %get3A_22, %sign3A_25 : i32
    %sign3A_27 = arith.extui %sign3A_26 : i1 to i32
    %sign3A_28 = arith.constant 0 : i32
    %sign3A_29 = arith.cmpi slt, %get3A_22, %sign3A_28 : i32
    %sign3A_30 = arith.extui %sign3A_29 : i1 to i32
    %sign3A_31 = arith.subi %sign3A_27, %sign3A_30 : i32
    %sign3A_32 = arith.constant 0 : i32
    %sign3A_33 = arith.cmpi sgt, %jit3A_23, %sign3A_32 : i32
    %sign3A_34 = arith.extui %sign3A_33 : i1 to i32
    %sign3A_35 = arith.constant 0 : i32
    %sign3A_36 = arith.cmpi slt, %jit3A_23, %sign3A_35 : i32
    %sign3A_37 = arith.extui %sign3A_36 : i1 to i32
    %sign3A_38 = arith.subi %sign3A_34, %sign3A_37 : i32
    %ne3A_39 = arith.cmpi ne, %sign3A_31, %sign3A_38 : i32
    %rem3A_40 = arith.remsi %get3A_22, %jit3A_23 : i32
    %ne3A_41 = arith.constant 0 : i32
    %ne3A_42 = arith.cmpi ne, %rem3A_40, %ne3A_41 : i32
    %and3A_43 = arith.andi %ne3A_39, %ne3A_42 : i1
    %sub3A_44 = arith.constant 1 : i32
    %sub3A_45 = arith.subi %div3A_24, %sub3A_44 : i32
    %select_n3A_46 = arith.select %and3A_43, %sub3A_45, %div3A_24 : i32
    %c0_i32 = arith.constant 0 : i32
    return %select_n3A, %select_n3A_46 : i32, i32
  }
  func.func @transform_23(%arg0: i32, %arg1: memref<128xi32, #tpu.memory_space<smem>>) -> (i32, i32) {
    %mul3A = arith.constant 32 : i32
    %mul3A_0 = arith.muli %mul3A, %arg0 : i32
    %add3A = arith.constant 23 : i32
    %add3A_1 = arith.addi %mul3A_0, %add3A : i32
    %jit3A = arith.constant 8 : i32
    %div3A = arith.divsi %add3A_1, %jit3A : i32
    %sign3A = arith.constant 0 : i32
    %sign3A_2 = arith.cmpi sgt, %add3A_1, %sign3A : i32
    %sign3A_3 = arith.extui %sign3A_2 : i1 to i32
    %sign3A_4 = arith.constant 0 : i32
    %sign3A_5 = arith.cmpi slt, %add3A_1, %sign3A_4 : i32
    %sign3A_6 = arith.extui %sign3A_5 : i1 to i32
    %sign3A_7 = arith.subi %sign3A_3, %sign3A_6 : i32
    %sign3A_8 = arith.constant 0 : i32
    %sign3A_9 = arith.cmpi sgt, %jit3A, %sign3A_8 : i32
    %sign3A_10 = arith.extui %sign3A_9 : i1 to i32
    %sign3A_11 = arith.constant 0 : i32
    %sign3A_12 = arith.cmpi slt, %jit3A, %sign3A_11 : i32
    %sign3A_13 = arith.extui %sign3A_12 : i1 to i32
    %sign3A_14 = arith.subi %sign3A_10, %sign3A_13 : i32
    %ne3A = arith.cmpi ne, %sign3A_7, %sign3A_14 : i32
    %rem3A = arith.remsi %add3A_1, %jit3A : i32
    %ne3A_15 = arith.constant 0 : i32
    %ne3A_16 = arith.cmpi ne, %rem3A, %ne3A_15 : i32
    %and3A = arith.andi %ne3A, %ne3A_16 : i1
    %sub3A = arith.constant 1 : i32
    %sub3A_17 = arith.subi %div3A, %sub3A : i32
    %select_n3A = arith.select %and3A, %sub3A_17, %div3A : i32
    %mul3A_18 = arith.constant 32 : i32
    %mul3A_19 = arith.muli %mul3A_18, %arg0 : i32
    %add3A_20 = arith.constant 23 : i32
    %add3A_21 = arith.addi %mul3A_19, %add3A_20 : i32
    %get3A = arith.index_cast %add3A_21 : i32 to index
    %get3A_22 = memref.load %arg1[%get3A] : memref<128xi32, #tpu.memory_space<smem>>
    %jit3A_23 = arith.constant 128 : i32
    %div3A_24 = arith.divsi %get3A_22, %jit3A_23 : i32
    %sign3A_25 = arith.constant 0 : i32
    %sign3A_26 = arith.cmpi sgt, %get3A_22, %sign3A_25 : i32
    %sign3A_27 = arith.extui %sign3A_26 : i1 to i32
    %sign3A_28 = arith.constant 0 : i32
    %sign3A_29 = arith.cmpi slt, %get3A_22, %sign3A_28 : i32
    %sign3A_30 = arith.extui %sign3A_29 : i1 to i32
    %sign3A_31 = arith.subi %sign3A_27, %sign3A_30 : i32
    %sign3A_32 = arith.constant 0 : i32
    %sign3A_33 = arith.cmpi sgt, %jit3A_23, %sign3A_32 : i32
    %sign3A_34 = arith.extui %sign3A_33 : i1 to i32
    %sign3A_35 = arith.constant 0 : i32
    %sign3A_36 = arith.cmpi slt, %jit3A_23, %sign3A_35 : i32
    %sign3A_37 = arith.extui %sign3A_36 : i1 to i32
    %sign3A_38 = arith.subi %sign3A_34, %sign3A_37 : i32
    %ne3A_39 = arith.cmpi ne, %sign3A_31, %sign3A_38 : i32
    %rem3A_40 = arith.remsi %get3A_22, %jit3A_23 : i32
    %ne3A_41 = arith.constant 0 : i32
    %ne3A_42 = arith.cmpi ne, %rem3A_40, %ne3A_41 : i32
    %and3A_43 = arith.andi %ne3A_39, %ne3A_42 : i1
    %sub3A_44 = arith.constant 1 : i32
    %sub3A_45 = arith.subi %div3A_24, %sub3A_44 : i32
    %select_n3A_46 = arith.select %and3A_43, %sub3A_45, %div3A_24 : i32
    %c0_i32 = arith.constant 0 : i32
    return %select_n3A, %select_n3A_46 : i32, i32
  }
  func.func @transform_24(%arg0: i32, %arg1: memref<128xi32, #tpu.memory_space<smem>>) -> (i32, i32) {
    %mul3A = arith.constant 32 : i32
    %mul3A_0 = arith.muli %mul3A, %arg0 : i32
    %add3A = arith.constant 24 : i32
    %add3A_1 = arith.addi %mul3A_0, %add3A : i32
    %jit3A = arith.constant 8 : i32
    %div3A = arith.divsi %add3A_1, %jit3A : i32
    %sign3A = arith.constant 0 : i32
    %sign3A_2 = arith.cmpi sgt, %add3A_1, %sign3A : i32
    %sign3A_3 = arith.extui %sign3A_2 : i1 to i32
    %sign3A_4 = arith.constant 0 : i32
    %sign3A_5 = arith.cmpi slt, %add3A_1, %sign3A_4 : i32
    %sign3A_6 = arith.extui %sign3A_5 : i1 to i32
    %sign3A_7 = arith.subi %sign3A_3, %sign3A_6 : i32
    %sign3A_8 = arith.constant 0 : i32
    %sign3A_9 = arith.cmpi sgt, %jit3A, %sign3A_8 : i32
    %sign3A_10 = arith.extui %sign3A_9 : i1 to i32
    %sign3A_11 = arith.constant 0 : i32
    %sign3A_12 = arith.cmpi slt, %jit3A, %sign3A_11 : i32
    %sign3A_13 = arith.extui %sign3A_12 : i1 to i32
    %sign3A_14 = arith.subi %sign3A_10, %sign3A_13 : i32
    %ne3A = arith.cmpi ne, %sign3A_7, %sign3A_14 : i32
    %rem3A = arith.remsi %add3A_1, %jit3A : i32
    %ne3A_15 = arith.constant 0 : i32
    %ne3A_16 = arith.cmpi ne, %rem3A, %ne3A_15 : i32
    %and3A = arith.andi %ne3A, %ne3A_16 : i1
    %sub3A = arith.constant 1 : i32
    %sub3A_17 = arith.subi %div3A, %sub3A : i32
    %select_n3A = arith.select %and3A, %sub3A_17, %div3A : i32
    %mul3A_18 = arith.constant 32 : i32
    %mul3A_19 = arith.muli %mul3A_18, %arg0 : i32
    %add3A_20 = arith.constant 24 : i32
    %add3A_21 = arith.addi %mul3A_19, %add3A_20 : i32
    %get3A = arith.index_cast %add3A_21 : i32 to index
    %get3A_22 = memref.load %arg1[%get3A] : memref<128xi32, #tpu.memory_space<smem>>
    %jit3A_23 = arith.constant 128 : i32
    %div3A_24 = arith.divsi %get3A_22, %jit3A_23 : i32
    %sign3A_25 = arith.constant 0 : i32
    %sign3A_26 = arith.cmpi sgt, %get3A_22, %sign3A_25 : i32
    %sign3A_27 = arith.extui %sign3A_26 : i1 to i32
    %sign3A_28 = arith.constant 0 : i32
    %sign3A_29 = arith.cmpi slt, %get3A_22, %sign3A_28 : i32
    %sign3A_30 = arith.extui %sign3A_29 : i1 to i32
    %sign3A_31 = arith.subi %sign3A_27, %sign3A_30 : i32
    %sign3A_32 = arith.constant 0 : i32
    %sign3A_33 = arith.cmpi sgt, %jit3A_23, %sign3A_32 : i32
    %sign3A_34 = arith.extui %sign3A_33 : i1 to i32
    %sign3A_35 = arith.constant 0 : i32
    %sign3A_36 = arith.cmpi slt, %jit3A_23, %sign3A_35 : i32
    %sign3A_37 = arith.extui %sign3A_36 : i1 to i32
    %sign3A_38 = arith.subi %sign3A_34, %sign3A_37 : i32
    %ne3A_39 = arith.cmpi ne, %sign3A_31, %sign3A_38 : i32
    %rem3A_40 = arith.remsi %get3A_22, %jit3A_23 : i32
    %ne3A_41 = arith.constant 0 : i32
    %ne3A_42 = arith.cmpi ne, %rem3A_40, %ne3A_41 : i32
    %and3A_43 = arith.andi %ne3A_39, %ne3A_42 : i1
    %sub3A_44 = arith.constant 1 : i32
    %sub3A_45 = arith.subi %div3A_24, %sub3A_44 : i32
    %select_n3A_46 = arith.select %and3A_43, %sub3A_45, %div3A_24 : i32
    %c0_i32 = arith.constant 0 : i32
    return %select_n3A, %select_n3A_46 : i32, i32
  }
  func.func @transform_25(%arg0: i32, %arg1: memref<128xi32, #tpu.memory_space<smem>>) -> (i32, i32) {
    %mul3A = arith.constant 32 : i32
    %mul3A_0 = arith.muli %mul3A, %arg0 : i32
    %add3A = arith.constant 25 : i32
    %add3A_1 = arith.addi %mul3A_0, %add3A : i32
    %jit3A = arith.constant 8 : i32
    %div3A = arith.divsi %add3A_1, %jit3A : i32
    %sign3A = arith.constant 0 : i32
    %sign3A_2 = arith.cmpi sgt, %add3A_1, %sign3A : i32
    %sign3A_3 = arith.extui %sign3A_2 : i1 to i32
    %sign3A_4 = arith.constant 0 : i32
    %sign3A_5 = arith.cmpi slt, %add3A_1, %sign3A_4 : i32
    %sign3A_6 = arith.extui %sign3A_5 : i1 to i32
    %sign3A_7 = arith.subi %sign3A_3, %sign3A_6 : i32
    %sign3A_8 = arith.constant 0 : i32
    %sign3A_9 = arith.cmpi sgt, %jit3A, %sign3A_8 : i32
    %sign3A_10 = arith.extui %sign3A_9 : i1 to i32
    %sign3A_11 = arith.constant 0 : i32
    %sign3A_12 = arith.cmpi slt, %jit3A, %sign3A_11 : i32
    %sign3A_13 = arith.extui %sign3A_12 : i1 to i32
    %sign3A_14 = arith.subi %sign3A_10, %sign3A_13 : i32
    %ne3A = arith.cmpi ne, %sign3A_7, %sign3A_14 : i32
    %rem3A = arith.remsi %add3A_1, %jit3A : i32
    %ne3A_15 = arith.constant 0 : i32
    %ne3A_16 = arith.cmpi ne, %rem3A, %ne3A_15 : i32
    %and3A = arith.andi %ne3A, %ne3A_16 : i1
    %sub3A = arith.constant 1 : i32
    %sub3A_17 = arith.subi %div3A, %sub3A : i32
    %select_n3A = arith.select %and3A, %sub3A_17, %div3A : i32
    %mul3A_18 = arith.constant 32 : i32
    %mul3A_19 = arith.muli %mul3A_18, %arg0 : i32
    %add3A_20 = arith.constant 25 : i32
    %add3A_21 = arith.addi %mul3A_19, %add3A_20 : i32
    %get3A = arith.index_cast %add3A_21 : i32 to index
    %get3A_22 = memref.load %arg1[%get3A] : memref<128xi32, #tpu.memory_space<smem>>
    %jit3A_23 = arith.constant 128 : i32
    %div3A_24 = arith.divsi %get3A_22, %jit3A_23 : i32
    %sign3A_25 = arith.constant 0 : i32
    %sign3A_26 = arith.cmpi sgt, %get3A_22, %sign3A_25 : i32
    %sign3A_27 = arith.extui %sign3A_26 : i1 to i32
    %sign3A_28 = arith.constant 0 : i32
    %sign3A_29 = arith.cmpi slt, %get3A_22, %sign3A_28 : i32
    %sign3A_30 = arith.extui %sign3A_29 : i1 to i32
    %sign3A_31 = arith.subi %sign3A_27, %sign3A_30 : i32
    %sign3A_32 = arith.constant 0 : i32
    %sign3A_33 = arith.cmpi sgt, %jit3A_23, %sign3A_32 : i32
    %sign3A_34 = arith.extui %sign3A_33 : i1 to i32
    %sign3A_35 = arith.constant 0 : i32
    %sign3A_36 = arith.cmpi slt, %jit3A_23, %sign3A_35 : i32
    %sign3A_37 = arith.extui %sign3A_36 : i1 to i32
    %sign3A_38 = arith.subi %sign3A_34, %sign3A_37 : i32
    %ne3A_39 = arith.cmpi ne, %sign3A_31, %sign3A_38 : i32
    %rem3A_40 = arith.remsi %get3A_22, %jit3A_23 : i32
    %ne3A_41 = arith.constant 0 : i32
    %ne3A_42 = arith.cmpi ne, %rem3A_40, %ne3A_41 : i32
    %and3A_43 = arith.andi %ne3A_39, %ne3A_42 : i1
    %sub3A_44 = arith.constant 1 : i32
    %sub3A_45 = arith.subi %div3A_24, %sub3A_44 : i32
    %select_n3A_46 = arith.select %and3A_43, %sub3A_45, %div3A_24 : i32
    %c0_i32 = arith.constant 0 : i32
    return %select_n3A, %select_n3A_46 : i32, i32
  }
  func.func @transform_26(%arg0: i32, %arg1: memref<128xi32, #tpu.memory_space<smem>>) -> (i32, i32) {
    %mul3A = arith.constant 32 : i32
    %mul3A_0 = arith.muli %mul3A, %arg0 : i32
    %add3A = arith.constant 26 : i32
    %add3A_1 = arith.addi %mul3A_0, %add3A : i32
    %jit3A = arith.constant 8 : i32
    %div3A = arith.divsi %add3A_1, %jit3A : i32
    %sign3A = arith.constant 0 : i32
    %sign3A_2 = arith.cmpi sgt, %add3A_1, %sign3A : i32
    %sign3A_3 = arith.extui %sign3A_2 : i1 to i32
    %sign3A_4 = arith.constant 0 : i32
    %sign3A_5 = arith.cmpi slt, %add3A_1, %sign3A_4 : i32
    %sign3A_6 = arith.extui %sign3A_5 : i1 to i32
    %sign3A_7 = arith.subi %sign3A_3, %sign3A_6 : i32
    %sign3A_8 = arith.constant 0 : i32
    %sign3A_9 = arith.cmpi sgt, %jit3A, %sign3A_8 : i32
    %sign3A_10 = arith.extui %sign3A_9 : i1 to i32
    %sign3A_11 = arith.constant 0 : i32
    %sign3A_12 = arith.cmpi slt, %jit3A, %sign3A_11 : i32
    %sign3A_13 = arith.extui %sign3A_12 : i1 to i32
    %sign3A_14 = arith.subi %sign3A_10, %sign3A_13 : i32
    %ne3A = arith.cmpi ne, %sign3A_7, %sign3A_14 : i32
    %rem3A = arith.remsi %add3A_1, %jit3A : i32
    %ne3A_15 = arith.constant 0 : i32
    %ne3A_16 = arith.cmpi ne, %rem3A, %ne3A_15 : i32
    %and3A = arith.andi %ne3A, %ne3A_16 : i1
    %sub3A = arith.constant 1 : i32
    %sub3A_17 = arith.subi %div3A, %sub3A : i32
    %select_n3A = arith.select %and3A, %sub3A_17, %div3A : i32
    %mul3A_18 = arith.constant 32 : i32
    %mul3A_19 = arith.muli %mul3A_18, %arg0 : i32
    %add3A_20 = arith.constant 26 : i32
    %add3A_21 = arith.addi %mul3A_19, %add3A_20 : i32
    %get3A = arith.index_cast %add3A_21 : i32 to index
    %get3A_22 = memref.load %arg1[%get3A] : memref<128xi32, #tpu.memory_space<smem>>
    %jit3A_23 = arith.constant 128 : i32
    %div3A_24 = arith.divsi %get3A_22, %jit3A_23 : i32
    %sign3A_25 = arith.constant 0 : i32
    %sign3A_26 = arith.cmpi sgt, %get3A_22, %sign3A_25 : i32
    %sign3A_27 = arith.extui %sign3A_26 : i1 to i32
    %sign3A_28 = arith.constant 0 : i32
    %sign3A_29 = arith.cmpi slt, %get3A_22, %sign3A_28 : i32
    %sign3A_30 = arith.extui %sign3A_29 : i1 to i32
    %sign3A_31 = arith.subi %sign3A_27, %sign3A_30 : i32
    %sign3A_32 = arith.constant 0 : i32
    %sign3A_33 = arith.cmpi sgt, %jit3A_23, %sign3A_32 : i32
    %sign3A_34 = arith.extui %sign3A_33 : i1 to i32
    %sign3A_35 = arith.constant 0 : i32
    %sign3A_36 = arith.cmpi slt, %jit3A_23, %sign3A_35 : i32
    %sign3A_37 = arith.extui %sign3A_36 : i1 to i32
    %sign3A_38 = arith.subi %sign3A_34, %sign3A_37 : i32
    %ne3A_39 = arith.cmpi ne, %sign3A_31, %sign3A_38 : i32
    %rem3A_40 = arith.remsi %get3A_22, %jit3A_23 : i32
    %ne3A_41 = arith.constant 0 : i32
    %ne3A_42 = arith.cmpi ne, %rem3A_40, %ne3A_41 : i32
    %and3A_43 = arith.andi %ne3A_39, %ne3A_42 : i1
    %sub3A_44 = arith.constant 1 : i32
    %sub3A_45 = arith.subi %div3A_24, %sub3A_44 : i32
    %select_n3A_46 = arith.select %and3A_43, %sub3A_45, %div3A_24 : i32
    %c0_i32 = arith.constant 0 : i32
    return %select_n3A, %select_n3A_46 : i32, i32
  }
  func.func @transform_27(%arg0: i32, %arg1: memref<128xi32, #tpu.memory_space<smem>>) -> (i32, i32) {
    %mul3A = arith.constant 32 : i32
    %mul3A_0 = arith.muli %mul3A, %arg0 : i32
    %add3A = arith.constant 27 : i32
    %add3A_1 = arith.addi %mul3A_0, %add3A : i32
    %jit3A = arith.constant 8 : i32
    %div3A = arith.divsi %add3A_1, %jit3A : i32
    %sign3A = arith.constant 0 : i32
    %sign3A_2 = arith.cmpi sgt, %add3A_1, %sign3A : i32
    %sign3A_3 = arith.extui %sign3A_2 : i1 to i32
    %sign3A_4 = arith.constant 0 : i32
    %sign3A_5 = arith.cmpi slt, %add3A_1, %sign3A_4 : i32
    %sign3A_6 = arith.extui %sign3A_5 : i1 to i32
    %sign3A_7 = arith.subi %sign3A_3, %sign3A_6 : i32
    %sign3A_8 = arith.constant 0 : i32
    %sign3A_9 = arith.cmpi sgt, %jit3A, %sign3A_8 : i32
    %sign3A_10 = arith.extui %sign3A_9 : i1 to i32
    %sign3A_11 = arith.constant 0 : i32
    %sign3A_12 = arith.cmpi slt, %jit3A, %sign3A_11 : i32
    %sign3A_13 = arith.extui %sign3A_12 : i1 to i32
    %sign3A_14 = arith.subi %sign3A_10, %sign3A_13 : i32
    %ne3A = arith.cmpi ne, %sign3A_7, %sign3A_14 : i32
    %rem3A = arith.remsi %add3A_1, %jit3A : i32
    %ne3A_15 = arith.constant 0 : i32
    %ne3A_16 = arith.cmpi ne, %rem3A, %ne3A_15 : i32
    %and3A = arith.andi %ne3A, %ne3A_16 : i1
    %sub3A = arith.constant 1 : i32
    %sub3A_17 = arith.subi %div3A, %sub3A : i32
    %select_n3A = arith.select %and3A, %sub3A_17, %div3A : i32
    %mul3A_18 = arith.constant 32 : i32
    %mul3A_19 = arith.muli %mul3A_18, %arg0 : i32
    %add3A_20 = arith.constant 27 : i32
    %add3A_21 = arith.addi %mul3A_19, %add3A_20 : i32
    %get3A = arith.index_cast %add3A_21 : i32 to index
    %get3A_22 = memref.load %arg1[%get3A] : memref<128xi32, #tpu.memory_space<smem>>
    %jit3A_23 = arith.constant 128 : i32
    %div3A_24 = arith.divsi %get3A_22, %jit3A_23 : i32
    %sign3A_25 = arith.constant 0 : i32
    %sign3A_26 = arith.cmpi sgt, %get3A_22, %sign3A_25 : i32
    %sign3A_27 = arith.extui %sign3A_26 : i1 to i32
    %sign3A_28 = arith.constant 0 : i32
    %sign3A_29 = arith.cmpi slt, %get3A_22, %sign3A_28 : i32
    %sign3A_30 = arith.extui %sign3A_29 : i1 to i32
    %sign3A_31 = arith.subi %sign3A_27, %sign3A_30 : i32
    %sign3A_32 = arith.constant 0 : i32
    %sign3A_33 = arith.cmpi sgt, %jit3A_23, %sign3A_32 : i32
    %sign3A_34 = arith.extui %sign3A_33 : i1 to i32
    %sign3A_35 = arith.constant 0 : i32
    %sign3A_36 = arith.cmpi slt, %jit3A_23, %sign3A_35 : i32
    %sign3A_37 = arith.extui %sign3A_36 : i1 to i32
    %sign3A_38 = arith.subi %sign3A_34, %sign3A_37 : i32
    %ne3A_39 = arith.cmpi ne, %sign3A_31, %sign3A_38 : i32
    %rem3A_40 = arith.remsi %get3A_22, %jit3A_23 : i32
    %ne3A_41 = arith.constant 0 : i32
    %ne3A_42 = arith.cmpi ne, %rem3A_40, %ne3A_41 : i32
    %and3A_43 = arith.andi %ne3A_39, %ne3A_42 : i1
    %sub3A_44 = arith.constant 1 : i32
    %sub3A_45 = arith.subi %div3A_24, %sub3A_44 : i32
    %select_n3A_46 = arith.select %and3A_43, %sub3A_45, %div3A_24 : i32
    %c0_i32 = arith.constant 0 : i32
    return %select_n3A, %select_n3A_46 : i32, i32
  }
  func.func @transform_28(%arg0: i32, %arg1: memref<128xi32, #tpu.memory_space<smem>>) -> (i32, i32) {
    %mul3A = arith.constant 32 : i32
    %mul3A_0 = arith.muli %mul3A, %arg0 : i32
    %add3A = arith.constant 28 : i32
    %add3A_1 = arith.addi %mul3A_0, %add3A : i32
    %jit3A = arith.constant 8 : i32
    %div3A = arith.divsi %add3A_1, %jit3A : i32
    %sign3A = arith.constant 0 : i32
    %sign3A_2 = arith.cmpi sgt, %add3A_1, %sign3A : i32
    %sign3A_3 = arith.extui %sign3A_2 : i1 to i32
    %sign3A_4 = arith.constant 0 : i32
    %sign3A_5 = arith.cmpi slt, %add3A_1, %sign3A_4 : i32
    %sign3A_6 = arith.extui %sign3A_5 : i1 to i32
    %sign3A_7 = arith.subi %sign3A_3, %sign3A_6 : i32
    %sign3A_8 = arith.constant 0 : i32
    %sign3A_9 = arith.cmpi sgt, %jit3A, %sign3A_8 : i32
    %sign3A_10 = arith.extui %sign3A_9 : i1 to i32
    %sign3A_11 = arith.constant 0 : i32
    %sign3A_12 = arith.cmpi slt, %jit3A, %sign3A_11 : i32
    %sign3A_13 = arith.extui %sign3A_12 : i1 to i32
    %sign3A_14 = arith.subi %sign3A_10, %sign3A_13 : i32
    %ne3A = arith.cmpi ne, %sign3A_7, %sign3A_14 : i32
    %rem3A = arith.remsi %add3A_1, %jit3A : i32
    %ne3A_15 = arith.constant 0 : i32
    %ne3A_16 = arith.cmpi ne, %rem3A, %ne3A_15 : i32
    %and3A = arith.andi %ne3A, %ne3A_16 : i1
    %sub3A = arith.constant 1 : i32
    %sub3A_17 = arith.subi %div3A, %sub3A : i32
    %select_n3A = arith.select %and3A, %sub3A_17, %div3A : i32
    %mul3A_18 = arith.constant 32 : i32
    %mul3A_19 = arith.muli %mul3A_18, %arg0 : i32
    %add3A_20 = arith.constant 28 : i32
    %add3A_21 = arith.addi %mul3A_19, %add3A_20 : i32
    %get3A = arith.index_cast %add3A_21 : i32 to index
    %get3A_22 = memref.load %arg1[%get3A] : memref<128xi32, #tpu.memory_space<smem>>
    %jit3A_23 = arith.constant 128 : i32
    %div3A_24 = arith.divsi %get3A_22, %jit3A_23 : i32
    %sign3A_25 = arith.constant 0 : i32
    %sign3A_26 = arith.cmpi sgt, %get3A_22, %sign3A_25 : i32
    %sign3A_27 = arith.extui %sign3A_26 : i1 to i32
    %sign3A_28 = arith.constant 0 : i32
    %sign3A_29 = arith.cmpi slt, %get3A_22, %sign3A_28 : i32
    %sign3A_30 = arith.extui %sign3A_29 : i1 to i32
    %sign3A_31 = arith.subi %sign3A_27, %sign3A_30 : i32
    %sign3A_32 = arith.constant 0 : i32
    %sign3A_33 = arith.cmpi sgt, %jit3A_23, %sign3A_32 : i32
    %sign3A_34 = arith.extui %sign3A_33 : i1 to i32
    %sign3A_35 = arith.constant 0 : i32
    %sign3A_36 = arith.cmpi slt, %jit3A_23, %sign3A_35 : i32
    %sign3A_37 = arith.extui %sign3A_36 : i1 to i32
    %sign3A_38 = arith.subi %sign3A_34, %sign3A_37 : i32
    %ne3A_39 = arith.cmpi ne, %sign3A_31, %sign3A_38 : i32
    %rem3A_40 = arith.remsi %get3A_22, %jit3A_23 : i32
    %ne3A_41 = arith.constant 0 : i32
    %ne3A_42 = arith.cmpi ne, %rem3A_40, %ne3A_41 : i32
    %and3A_43 = arith.andi %ne3A_39, %ne3A_42 : i1
    %sub3A_44 = arith.constant 1 : i32
    %sub3A_45 = arith.subi %div3A_24, %sub3A_44 : i32
    %select_n3A_46 = arith.select %and3A_43, %sub3A_45, %div3A_24 : i32
    %c0_i32 = arith.constant 0 : i32
    return %select_n3A, %select_n3A_46 : i32, i32
  }
  func.func @transform_29(%arg0: i32, %arg1: memref<128xi32, #tpu.memory_space<smem>>) -> (i32, i32) {
    %mul3A = arith.constant 32 : i32
    %mul3A_0 = arith.muli %mul3A, %arg0 : i32
    %add3A = arith.constant 29 : i32
    %add3A_1 = arith.addi %mul3A_0, %add3A : i32
    %jit3A = arith.constant 8 : i32
    %div3A = arith.divsi %add3A_1, %jit3A : i32
    %sign3A = arith.constant 0 : i32
    %sign3A_2 = arith.cmpi sgt, %add3A_1, %sign3A : i32
    %sign3A_3 = arith.extui %sign3A_2 : i1 to i32
    %sign3A_4 = arith.constant 0 : i32
    %sign3A_5 = arith.cmpi slt, %add3A_1, %sign3A_4 : i32
    %sign3A_6 = arith.extui %sign3A_5 : i1 to i32
    %sign3A_7 = arith.subi %sign3A_3, %sign3A_6 : i32
    %sign3A_8 = arith.constant 0 : i32
    %sign3A_9 = arith.cmpi sgt, %jit3A, %sign3A_8 : i32
    %sign3A_10 = arith.extui %sign3A_9 : i1 to i32
    %sign3A_11 = arith.constant 0 : i32
    %sign3A_12 = arith.cmpi slt, %jit3A, %sign3A_11 : i32
    %sign3A_13 = arith.extui %sign3A_12 : i1 to i32
    %sign3A_14 = arith.subi %sign3A_10, %sign3A_13 : i32
    %ne3A = arith.cmpi ne, %sign3A_7, %sign3A_14 : i32
    %rem3A = arith.remsi %add3A_1, %jit3A : i32
    %ne3A_15 = arith.constant 0 : i32
    %ne3A_16 = arith.cmpi ne, %rem3A, %ne3A_15 : i32
    %and3A = arith.andi %ne3A, %ne3A_16 : i1
    %sub3A = arith.constant 1 : i32
    %sub3A_17 = arith.subi %div3A, %sub3A : i32
    %select_n3A = arith.select %and3A, %sub3A_17, %div3A : i32
    %mul3A_18 = arith.constant 32 : i32
    %mul3A_19 = arith.muli %mul3A_18, %arg0 : i32
    %add3A_20 = arith.constant 29 : i32
    %add3A_21 = arith.addi %mul3A_19, %add3A_20 : i32
    %get3A = arith.index_cast %add3A_21 : i32 to index
    %get3A_22 = memref.load %arg1[%get3A] : memref<128xi32, #tpu.memory_space<smem>>
    %jit3A_23 = arith.constant 128 : i32
    %div3A_24 = arith.divsi %get3A_22, %jit3A_23 : i32
    %sign3A_25 = arith.constant 0 : i32
    %sign3A_26 = arith.cmpi sgt, %get3A_22, %sign3A_25 : i32
    %sign3A_27 = arith.extui %sign3A_26 : i1 to i32
    %sign3A_28 = arith.constant 0 : i32
    %sign3A_29 = arith.cmpi slt, %get3A_22, %sign3A_28 : i32
    %sign3A_30 = arith.extui %sign3A_29 : i1 to i32
    %sign3A_31 = arith.subi %sign3A_27, %sign3A_30 : i32
    %sign3A_32 = arith.constant 0 : i32
    %sign3A_33 = arith.cmpi sgt, %jit3A_23, %sign3A_32 : i32
    %sign3A_34 = arith.extui %sign3A_33 : i1 to i32
    %sign3A_35 = arith.constant 0 : i32
    %sign3A_36 = arith.cmpi slt, %jit3A_23, %sign3A_35 : i32
    %sign3A_37 = arith.extui %sign3A_36 : i1 to i32
    %sign3A_38 = arith.subi %sign3A_34, %sign3A_37 : i32
    %ne3A_39 = arith.cmpi ne, %sign3A_31, %sign3A_38 : i32
    %rem3A_40 = arith.remsi %get3A_22, %jit3A_23 : i32
    %ne3A_41 = arith.constant 0 : i32
    %ne3A_42 = arith.cmpi ne, %rem3A_40, %ne3A_41 : i32
    %and3A_43 = arith.andi %ne3A_39, %ne3A_42 : i1
    %sub3A_44 = arith.constant 1 : i32
    %sub3A_45 = arith.subi %div3A_24, %sub3A_44 : i32
    %select_n3A_46 = arith.select %and3A_43, %sub3A_45, %div3A_24 : i32
    %c0_i32 = arith.constant 0 : i32
    return %select_n3A, %select_n3A_46 : i32, i32
  }
  func.func @transform_30(%arg0: i32, %arg1: memref<128xi32, #tpu.memory_space<smem>>) -> (i32, i32) {
    %mul3A = arith.constant 32 : i32
    %mul3A_0 = arith.muli %mul3A, %arg0 : i32
    %add3A = arith.constant 30 : i32
    %add3A_1 = arith.addi %mul3A_0, %add3A : i32
    %jit3A = arith.constant 8 : i32
    %div3A = arith.divsi %add3A_1, %jit3A : i32
    %sign3A = arith.constant 0 : i32
    %sign3A_2 = arith.cmpi sgt, %add3A_1, %sign3A : i32
    %sign3A_3 = arith.extui %sign3A_2 : i1 to i32
    %sign3A_4 = arith.constant 0 : i32
    %sign3A_5 = arith.cmpi slt, %add3A_1, %sign3A_4 : i32
    %sign3A_6 = arith.extui %sign3A_5 : i1 to i32
    %sign3A_7 = arith.subi %sign3A_3, %sign3A_6 : i32
    %sign3A_8 = arith.constant 0 : i32
    %sign3A_9 = arith.cmpi sgt, %jit3A, %sign3A_8 : i32
    %sign3A_10 = arith.extui %sign3A_9 : i1 to i32
    %sign3A_11 = arith.constant 0 : i32
    %sign3A_12 = arith.cmpi slt, %jit3A, %sign3A_11 : i32
    %sign3A_13 = arith.extui %sign3A_12 : i1 to i32
    %sign3A_14 = arith.subi %sign3A_10, %sign3A_13 : i32
    %ne3A = arith.cmpi ne, %sign3A_7, %sign3A_14 : i32
    %rem3A = arith.remsi %add3A_1, %jit3A : i32
    %ne3A_15 = arith.constant 0 : i32
    %ne3A_16 = arith.cmpi ne, %rem3A, %ne3A_15 : i32
    %and3A = arith.andi %ne3A, %ne3A_16 : i1
    %sub3A = arith.constant 1 : i32
    %sub3A_17 = arith.subi %div3A, %sub3A : i32
    %select_n3A = arith.select %and3A, %sub3A_17, %div3A : i32
    %mul3A_18 = arith.constant 32 : i32
    %mul3A_19 = arith.muli %mul3A_18, %arg0 : i32
    %add3A_20 = arith.constant 30 : i32
    %add3A_21 = arith.addi %mul3A_19, %add3A_20 : i32
    %get3A = arith.index_cast %add3A_21 : i32 to index
    %get3A_22 = memref.load %arg1[%get3A] : memref<128xi32, #tpu.memory_space<smem>>
    %jit3A_23 = arith.constant 128 : i32
    %div3A_24 = arith.divsi %get3A_22, %jit3A_23 : i32
    %sign3A_25 = arith.constant 0 : i32
    %sign3A_26 = arith.cmpi sgt, %get3A_22, %sign3A_25 : i32
    %sign3A_27 = arith.extui %sign3A_26 : i1 to i32
    %sign3A_28 = arith.constant 0 : i32
    %sign3A_29 = arith.cmpi slt, %get3A_22, %sign3A_28 : i32
    %sign3A_30 = arith.extui %sign3A_29 : i1 to i32
    %sign3A_31 = arith.subi %sign3A_27, %sign3A_30 : i32
    %sign3A_32 = arith.constant 0 : i32
    %sign3A_33 = arith.cmpi sgt, %jit3A_23, %sign3A_32 : i32
    %sign3A_34 = arith.extui %sign3A_33 : i1 to i32
    %sign3A_35 = arith.constant 0 : i32
    %sign3A_36 = arith.cmpi slt, %jit3A_23, %sign3A_35 : i32
    %sign3A_37 = arith.extui %sign3A_36 : i1 to i32
    %sign3A_38 = arith.subi %sign3A_34, %sign3A_37 : i32
    %ne3A_39 = arith.cmpi ne, %sign3A_31, %sign3A_38 : i32
    %rem3A_40 = arith.remsi %get3A_22, %jit3A_23 : i32
    %ne3A_41 = arith.constant 0 : i32
    %ne3A_42 = arith.cmpi ne, %rem3A_40, %ne3A_41 : i32
    %and3A_43 = arith.andi %ne3A_39, %ne3A_42 : i1
    %sub3A_44 = arith.constant 1 : i32
    %sub3A_45 = arith.subi %div3A_24, %sub3A_44 : i32
    %select_n3A_46 = arith.select %and3A_43, %sub3A_45, %div3A_24 : i32
    %c0_i32 = arith.constant 0 : i32
    return %select_n3A, %select_n3A_46 : i32, i32
  }
  func.func @transform_31(%arg0: i32, %arg1: memref<128xi32, #tpu.memory_space<smem>>) -> (i32, i32) {
    %mul3A = arith.constant 32 : i32
    %mul3A_0 = arith.muli %mul3A, %arg0 : i32
    %add3A = arith.constant 31 : i32
    %add3A_1 = arith.addi %mul3A_0, %add3A : i32
    %jit3A = arith.constant 8 : i32
    %div3A = arith.divsi %add3A_1, %jit3A : i32
    %sign3A = arith.constant 0 : i32
    %sign3A_2 = arith.cmpi sgt, %add3A_1, %sign3A : i32
    %sign3A_3 = arith.extui %sign3A_2 : i1 to i32
    %sign3A_4 = arith.constant 0 : i32
    %sign3A_5 = arith.cmpi slt, %add3A_1, %sign3A_4 : i32
    %sign3A_6 = arith.extui %sign3A_5 : i1 to i32
    %sign3A_7 = arith.subi %sign3A_3, %sign3A_6 : i32
    %sign3A_8 = arith.constant 0 : i32
    %sign3A_9 = arith.cmpi sgt, %jit3A, %sign3A_8 : i32
    %sign3A_10 = arith.extui %sign3A_9 : i1 to i32
    %sign3A_11 = arith.constant 0 : i32
    %sign3A_12 = arith.cmpi slt, %jit3A, %sign3A_11 : i32
    %sign3A_13 = arith.extui %sign3A_12 : i1 to i32
    %sign3A_14 = arith.subi %sign3A_10, %sign3A_13 : i32
    %ne3A = arith.cmpi ne, %sign3A_7, %sign3A_14 : i32
    %rem3A = arith.remsi %add3A_1, %jit3A : i32
    %ne3A_15 = arith.constant 0 : i32
    %ne3A_16 = arith.cmpi ne, %rem3A, %ne3A_15 : i32
    %and3A = arith.andi %ne3A, %ne3A_16 : i1
    %sub3A = arith.constant 1 : i32
    %sub3A_17 = arith.subi %div3A, %sub3A : i32
    %select_n3A = arith.select %and3A, %sub3A_17, %div3A : i32
    %mul3A_18 = arith.constant 32 : i32
    %mul3A_19 = arith.muli %mul3A_18, %arg0 : i32
    %add3A_20 = arith.constant 31 : i32
    %add3A_21 = arith.addi %mul3A_19, %add3A_20 : i32
    %get3A = arith.index_cast %add3A_21 : i32 to index
    %get3A_22 = memref.load %arg1[%get3A] : memref<128xi32, #tpu.memory_space<smem>>
    %jit3A_23 = arith.constant 128 : i32
    %div3A_24 = arith.divsi %get3A_22, %jit3A_23 : i32
    %sign3A_25 = arith.constant 0 : i32
    %sign3A_26 = arith.cmpi sgt, %get3A_22, %sign3A_25 : i32
    %sign3A_27 = arith.extui %sign3A_26 : i1 to i32
    %sign3A_28 = arith.constant 0 : i32
    %sign3A_29 = arith.cmpi slt, %get3A_22, %sign3A_28 : i32
    %sign3A_30 = arith.extui %sign3A_29 : i1 to i32
    %sign3A_31 = arith.subi %sign3A_27, %sign3A_30 : i32
    %sign3A_32 = arith.constant 0 : i32
    %sign3A_33 = arith.cmpi sgt, %jit3A_23, %sign3A_32 : i32
    %sign3A_34 = arith.extui %sign3A_33 : i1 to i32
    %sign3A_35 = arith.constant 0 : i32
    %sign3A_36 = arith.cmpi slt, %jit3A_23, %sign3A_35 : i32
    %sign3A_37 = arith.extui %sign3A_36 : i1 to i32
    %sign3A_38 = arith.subi %sign3A_34, %sign3A_37 : i32
    %ne3A_39 = arith.cmpi ne, %sign3A_31, %sign3A_38 : i32
    %rem3A_40 = arith.remsi %get3A_22, %jit3A_23 : i32
    %ne3A_41 = arith.constant 0 : i32
    %ne3A_42 = arith.cmpi ne, %rem3A_40, %ne3A_41 : i32
    %and3A_43 = arith.andi %ne3A_39, %ne3A_42 : i1
    %sub3A_44 = arith.constant 1 : i32
    %sub3A_45 = arith.subi %div3A_24, %sub3A_44 : i32
    %select_n3A_46 = arith.select %and3A_43, %sub3A_45, %div3A_24 : i32
    %c0_i32 = arith.constant 0 : i32
    return %select_n3A, %select_n3A_46 : i32, i32
  }
  func.func @transform_32(%arg0: i32, %arg1: memref<128xi32, #tpu.memory_space<smem>>) -> i32 {
    %c0_i32 = arith.constant 0 : i32
    return %arg0 : i32
  }
}

module attributes {stable_mosaic.version = 14 : i64} {
  func.func @_count_body(%arg0: i32, %arg1: memref<128x16384xf32, #tpu.memory_space<vmem>>, %arg2: memref<128x1xf32, #tpu.memory_space<vmem>>, %arg3: memref<128x1xi32, #tpu.memory_space<vmem>>, %arg4: memref<8x128xf32, #tpu.memory_space<vmem>>, %arg5: memref<128x1xf32, #tpu.memory_space<vmem>>) attributes {dimension_semantics = [#tpu.dimension_semantics<arbitrary>], iteration_bounds = array<i64: 7>, scalar_prefetch = 0 : i64, scratch_operands = 1 : i64, tpu.core_type = #tpu.core_type<tc>, window_params = [{transform_indices = @transform_0, window_bounds = array<i64: 128, 16384>}, {pipeline_mode = #tpu.pipeline_mode<synchronous>, transform_indices = @transform_1, window_bounds = array<i64: 128, 1>}, {pipeline_mode = #tpu.pipeline_mode<synchronous>, transform_indices = @transform_2, window_bounds = array<i64: 128, 1>}, {pipeline_mode = #tpu.pipeline_mode<synchronous>, transform_indices = @transform_3, window_bounds = array<i64: 8, 128>}]} {
    %get3A = arith.constant 0 : index
    %get3A_0 = arith.constant 0 : index
    %get3A_1 = vector.load %arg1[%get3A, %get3A_0] : memref<128x16384xf32, #tpu.memory_space<vmem>>, vector<128x16384xf32>
    %get3A_2 = arith.constant 0 : index
    %get3A_3 = arith.constant 0 : index
    %get3A_4 = vector.load %arg2[%get3A_2, %get3A_3] : memref<128x1xf32, #tpu.memory_space<vmem>>, vector<128x1xf32>
    %get3A_5 = arith.constant 0 : index
    %get3A_6 = arith.constant 0 : index
    %get3A_7 = vector.load %arg3[%get3A_5, %get3A_6] : memref<128x1xi32, #tpu.memory_space<vmem>>, vector<128x1xi32>
    %iota3A = tpu.iota {dimensions = array<i32: 1>} : vector<128x16384xi32>
    %mul3A = arith.constant 16384 : i32
    %mul3A_8 = arith.muli %arg0, %mul3A : i32
    %sub3A = vector.broadcast %mul3A_8 : i32 to vector<128x1xi32>
    %sub3A_9 = arith.subi %get3A_7, %sub3A : vector<128x1xi32>
    %gt3A = vector.broadcast %get3A_4 : vector<128x1xf32> to vector<128x16384xf32>
    %gt3A_10 = arith.cmpf ogt, %get3A_1, %gt3A : vector<128x16384xf32>
    %jit3A = arith.constant 1.000000e+00 : f32
    %jit3A_11 = arith.constant 0.000000e+00 : f32
    %broadcast_in_dim3A = vector.broadcast %jit3A : f32 to vector<128x16384xf32>
    %broadcast_in_dim3A_12 = vector.broadcast %jit3A_11 : f32 to vector<128x16384xf32>
    %select_n3A = arith.select %gt3A_10, %broadcast_in_dim3A, %broadcast_in_dim3A_12 : vector<128x16384xi1>, vector<128x16384xf32>
    %mul3A_13 = arith.constant 16384 : i32
    %mul3A_14 = arith.muli %arg0, %mul3A_13 : i32
    %sub3A_15 = arith.constant 100000 : i32
    %sub3A_16 = arith.subi %sub3A_15, %mul3A_14 : i32
    %min3A = vector.broadcast %sub3A_16 : i32 to vector<128x1xi32>
    %min3A_17 = arith.minsi %sub3A_9, %min3A : vector<128x1xi32>
    %eq3A = vector.broadcast %get3A_4 : vector<128x1xf32> to vector<128x16384xf32>
    %eq3A_18 = arith.cmpf oeq, %get3A_1, %eq3A : vector<128x16384xf32>
    %jit3A_19 = arith.constant 1.000000e+00 : f32
    %jit3A_20 = arith.constant 0.000000e+00 : f32
    %broadcast_in_dim3A_21 = vector.broadcast %jit3A_19 : f32 to vector<128x16384xf32>
    %broadcast_in_dim3A_22 = vector.broadcast %jit3A_20 : f32 to vector<128x16384xf32>
    %select_n3A_23 = arith.select %eq3A_18, %broadcast_in_dim3A_21, %broadcast_in_dim3A_22 : vector<128x16384xi1>, vector<128x16384xf32>
    %lt3A = vector.broadcast %min3A_17 : vector<128x1xi32> to vector<128x16384xi32>
    %lt3A_24 = arith.cmpi slt, %iota3A, %lt3A : vector<128x16384xi32>
    %jit3A_25 = arith.constant 1.000000e+00 : f32
    %jit3A_26 = arith.constant 0.000000e+00 : f32
    %broadcast_in_dim3A_27 = vector.broadcast %jit3A_25 : f32 to vector<128x16384xf32>
    %broadcast_in_dim3A_28 = vector.broadcast %jit3A_26 : f32 to vector<128x16384xf32>
    %select_n3A_29 = arith.select %lt3A_24, %broadcast_in_dim3A_27, %broadcast_in_dim3A_28 : vector<128x16384xi1>, vector<128x16384xf32>
    %mul3A_30 = arith.mulf %select_n3A_23, %select_n3A_29 : vector<128x16384xf32>
    %mul3A_31 = arith.constant 16384 : i32
    %mul3A_32 = arith.muli %arg0, %mul3A_31 : i32
    %sub3A_33 = arith.constant 100000 : i32
    %sub3A_34 = arith.subi %sub3A_33, %mul3A_32 : i32
    %lt3A_35 = vector.broadcast %sub3A_34 : i32 to vector<128x16384xi32>
    %lt3A_36 = arith.cmpi slt, %iota3A, %lt3A_35 : vector<128x16384xi32>
    %jit3A_37 = arith.constant 0.000000e+00 : f32
    %broadcast_in_dim3A_38 = vector.broadcast %jit3A_37 : f32 to vector<128x16384xf32>
    %select_n3A_39 = arith.select %lt3A_36, %select_n3A, %broadcast_in_dim3A_38 : vector<128x16384xi1>, vector<128x16384xf32>
    %add3A = arith.addf %select_n3A_39, %mul3A_30 : vector<128x16384xf32>
    %reduce_sum3A = arith.constant dense<0.000000e+00> : vector<128xf32>
    %reduce_sum3A_40 = vector.multi_reduction <add>, %add3A, %reduce_sum3A [1] : vector<128x16384xf32> to vector<128xf32>
    %broadcast_in_dim3A_41 = vector.shape_cast %reduce_sum3A_40 : vector<128xf32> to vector<128x1xf32>
    %eq3A_42 = arith.constant 0 : i32
    %eq3A_43 = arith.cmpi eq, %arg0, %eq3A_42 : i32
    %convert_element_type3A = arith.extui %eq3A_43 : i1 to i32
    %cond3A = arith.constant 0 : i32
    %cond3A_44 = arith.cmpi ne, %convert_element_type3A, %cond3A : i32
    scf.if %cond3A_44 {
      %swap3A = arith.constant 0 : index
      %swap3A_54 = arith.constant 0 : index
      %swap3A_55 = vector.load %arg5[%swap3A, %swap3A_54] : memref<128x1xf32, #tpu.memory_space<vmem>>, vector<128x1xf32>
      tpu.vector_store %arg5[%swap3A, %swap3A_54], %broadcast_in_dim3A_41 {strides = array<i32>} : memref<128x1xf32, #tpu.memory_space<vmem>>, vector<128x1xf32>,
    } else {
    }
    %ne3A = arith.constant 0 : i32
    %ne3A_45 = arith.cmpi ne, %arg0, %ne3A : i32
    %convert_element_type3A_46 = arith.extui %ne3A_45 : i1 to i32
    %cond3A_47 = arith.constant 0 : i32
    %cond3A_48 = arith.cmpi ne, %convert_element_type3A_46, %cond3A_47 : i32
    scf.if %cond3A_48 {
      %get3A_54 = arith.constant 0 : index
      %get3A_55 = arith.constant 0 : index
      %get3A_56 = vector.load %arg5[%get3A_54, %get3A_55] : memref<128x1xf32, #tpu.memory_space<vmem>>, vector<128x1xf32>
      %add3A_57 = arith.addf %get3A_56, %broadcast_in_dim3A_41 : vector<128x1xf32>
      %swap3A = arith.constant 0 : index
      %swap3A_58 = arith.constant 0 : index
      %swap3A_59 = vector.load %arg5[%swap3A, %swap3A_58] : memref<128x1xf32, #tpu.memory_space<vmem>>, vector<128x1xf32>
      tpu.vector_store %arg5[%swap3A, %swap3A_58], %add3A_57 {strides = array<i32>} : memref<128x1xf32, #tpu.memory_space<vmem>>, vector<128x1xf32>,
    } else {
    }
    %eq3A_49 = arith.constant 6 : i32
    %eq3A_50 = arith.cmpi eq, %arg0, %eq3A_49 : i32
    %convert_element_type3A_51 = arith.extui %eq3A_50 : i1 to i32
    %cond3A_52 = arith.constant 0 : i32
    %cond3A_53 = arith.cmpi ne, %convert_element_type3A_51, %cond3A_52 : i32
    scf.if %cond3A_53 {
      %get3A_54 = arith.constant 0 : index
      %get3A_55 = arith.constant 0 : index
      %get3A_56 = vector.load %arg5[%get3A_54, %get3A_55] : memref<128x1xf32, #tpu.memory_space<vmem>>, vector<128x1xf32>
      %lt3A_57 = arith.constant 1.000000e+00 : f32
      %lt3A_58 = vector.broadcast %lt3A_57 : f32 to vector<128x1xf32>
      %lt3A_59 = arith.cmpf olt, %get3A_56, %lt3A_58 : vector<128x1xf32>
      %jit3A_60 = arith.constant 1.000000e+00 : f32
      %jit3A_61 = arith.constant 0.000000e+00 : f32
      %broadcast_in_dim3A_62 = vector.broadcast %jit3A_60 : f32 to vector<128x1xf32>
      %broadcast_in_dim3A_63 = vector.broadcast %jit3A_61 : f32 to vector<128x1xf32>
      %select_n3A_64 = arith.select %lt3A_59, %broadcast_in_dim3A_62, %broadcast_in_dim3A_63 : vector<128x1xi1>, vector<128x1xf32>
      %lt3A_65 = arith.constant 5.000000e+00 : f32
      %lt3A_66 = vector.broadcast %lt3A_65 : f32 to vector<128x1xf32>
      %lt3A_67 = arith.cmpf olt, %get3A_56, %lt3A_66 : vector<128x1xf32>
      %jit3A_68 = arith.constant 1.000000e+00 : f32
      %jit3A_69 = arith.constant 0.000000e+00 : f32
      %broadcast_in_dim3A_70 = vector.broadcast %jit3A_68 : f32 to vector<128x1xf32>
      %broadcast_in_dim3A_71 = vector.broadcast %jit3A_69 : f32 to vector<128x1xf32>
      %select_n3A_72 = arith.select %lt3A_67, %broadcast_in_dim3A_70, %broadcast_in_dim3A_71 : vector<128x1xi1>, vector<128x1xf32>
      %reduce_sum3A_73 = vector.shape_cast %select_n3A_64 : vector<128x1xf32> to vector<1x128x1xf32>
      %reduce_sum3A_74 = arith.constant dense<0.000000e+00> : vector<1xf32>
      %reduce_sum3A_75 = vector.multi_reduction <add>, %reduce_sum3A_73, %reduce_sum3A_74 [1, 2] : vector<1x128x1xf32> to vector<1xf32>
      %reduce_sum3A_76 = vector.shape_cast %reduce_sum3A_75 : vector<1xf32> to vector<1x1x1xf32>
      %reduce_sum3A_77 = vector.extract %reduce_sum3A_76[0, 0, 0] : f32 from vector<1x1x1xf32>
      %mul3A_78 = arith.constant 7.812500e-03 : f32
      %mul3A_79 = arith.mulf %reduce_sum3A_77, %mul3A_78 : f32
      %reduce_sum3A_80 = vector.shape_cast %select_n3A_72 : vector<128x1xf32> to vector<1x128x1xf32>
      %reduce_sum3A_81 = arith.constant dense<0.000000e+00> : vector<1xf32>
      %reduce_sum3A_82 = vector.multi_reduction <add>, %reduce_sum3A_80, %reduce_sum3A_81 [1, 2] : vector<1x128x1xf32> to vector<1xf32>
      %reduce_sum3A_83 = vector.shape_cast %reduce_sum3A_82 : vector<1xf32> to vector<1x1x1xf32>
      %reduce_sum3A_84 = vector.extract %reduce_sum3A_83[0, 0, 0] : f32 from vector<1x1x1xf32>
      %mul3A_85 = arith.constant 7.812500e-03 : f32
      %mul3A_86 = arith.mulf %reduce_sum3A_84, %mul3A_85 : f32
      %iota3A_87 = tpu.iota {dimensions = array<i32: 0>} : vector<8x128xi32>
      %iota3A_88 = tpu.iota {dimensions = array<i32: 1>} : vector<8x128xi32>
      %eq3A_89 = arith.constant 0 : i32
      %eq3A_90 = vector.broadcast %eq3A_89 : i32 to vector<8x128xi32>
      %eq3A_91 = arith.cmpi eq, %iota3A_87, %eq3A_90 : vector<8x128xi32>
      %eq3A_92 = arith.constant 0 : i32
      %eq3A_93 = vector.broadcast %eq3A_92 : i32 to vector<8x128xi32>
      %eq3A_94 = arith.cmpi eq, %iota3A_88, %eq3A_93 : vector<8x128xi32>
      %and3A = arith.andi %eq3A_91, %eq3A_94 : vector<8x128xi1>
      %eq3A_95 = arith.constant 0 : i32
      %eq3A_96 = vector.broadcast %eq3A_95 : i32 to vector<8x128xi32>
      %eq3A_97 = arith.cmpi eq, %iota3A_87, %eq3A_96 : vector<8x128xi32>
      %eq3A_98 = arith.constant 1 : i32
      %eq3A_99 = vector.broadcast %eq3A_98 : i32 to vector<8x128xi32>
      %eq3A_100 = arith.cmpi eq, %iota3A_88, %eq3A_99 : vector<8x128xi32>
      %and3A_101 = arith.andi %eq3A_97, %eq3A_100 : vector<8x128xi1>
      %jit3A_102 = arith.constant 0.000000e+00 : f32
      %broadcast_in_dim3A_103 = vector.broadcast %mul3A_86 : f32 to vector<8x128xf32>
      %broadcast_in_dim3A_104 = vector.broadcast %jit3A_102 : f32 to vector<8x128xf32>
      %select_n3A_105 = arith.select %and3A_101, %broadcast_in_dim3A_103, %broadcast_in_dim3A_104 : vector<8x128xi1>, vector<8x128xf32>
      %broadcast_in_dim3A_106 = vector.broadcast %mul3A_79 : f32 to vector<8x128xf32>
      %select_n3A_107 = arith.select %and3A, %broadcast_in_dim3A_106, %select_n3A_105 : vector<8x128xi1>, vector<8x128xf32>
      %swap3A = arith.constant 0 : index
      %swap3A_108 = arith.constant 0 : index
      %swap3A_109 = vector.load %arg4[%swap3A, %swap3A_108] : memref<8x128xf32, #tpu.memory_space<vmem>>, vector<8x128xf32>
      tpu.vector_store %arg4[%swap3A, %swap3A_108], %select_n3A_107 {strides = array<i32>} : memref<8x128xf32, #tpu.memory_space<vmem>>, vector<8x128xf32>,
    } else {
    }
    return
  }
  func.func @transform_0(%arg0: i32) -> (i32, i32) {
    %c0_i32 = arith.constant 0 : i32
    %c0_i32_0 = arith.constant 0 : i32
    return %c0_i32, %arg0 : i32, i32
  }
  func.func @transform_1(%arg0: i32) -> (i32, i32) {
    %c0_i32 = arith.constant 0 : i32
    %c0_i32_0 = arith.constant 0 : i32
    %c0_i32_1 = arith.constant 0 : i32
    return %c0_i32, %c0_i32_0 : i32, i32
  }
  func.func @transform_2(%arg0: i32) -> (i32, i32) {
    %c0_i32 = arith.constant 0 : i32
    %c0_i32_0 = arith.constant 0 : i32
    %c0_i32_1 = arith.constant 0 : i32
    return %c0_i32, %c0_i32_0 : i32, i32
  }
  func.func @transform_3(%arg0: i32) -> (i32, i32) {
    %c0_i32 = arith.constant 0 : i32
    %c0_i32_0 = arith.constant 0 : i32
    %c0_i32_1 = arith.constant 0 : i32
    return %c0_i32, %c0_i32_0 : i32, i32
  }
}

</mosaic_0001>

<sc_bundles>
// kernel: kernel.5.cloned.1.call-start
scs
__scs_entry_jumppad:
0x0: {  	(pc) =	sbr.rel $0x88, $3  }
0x1: {  	(tag) =	ssettag $0x0;
	lr =	simm.s32 $0x1  }
0x2: {  	[smem:$0x3F9F] =	sst lr;
	_ =	strace $0xD0000000  }
0x3: {  	_ = 	snop  }
0x4: {  	_ = 	snop  }
0x5: {  	_ = 	snop  }
0x6: {  	_ = 	snop  }
0x7: {  	_ = 	snop  }
__scs_overlays_trampoline_lowered:
0x8: {  	[smem:$0x3FAE] =	sst s0  }
0x9: {  	[smem:$0x3FAF] =	sst s1  }
0xa: {  	[smem:$0x3FB0] =	sst s2  }
0xb: {  	[smem:$0x3FB1] =	sst s3  }
0xc: {  	[smem:$0x3FB2] =	sst s4  }
0xd: {  	[smem:$0x3FB3] =	sst s5  }
0xe: {  	[smem:$0x3FB4] =	sst s6  }
0xf: {  	[smem:$0x3FB5] =	sst s7  }
0x10: {  	[smem:$0x3FB6] =	sst s8  }
0x11: {  	[smem:$0x3FB7] =	sst s9;
	s0 =	simm.s32 @!p0 $0x0  }
0x12: {  	s1 =	sld [smem:$0x3F9D];
	s0 =	simm.s32 @p0 $0x1  }
0x13: {  	[smem:$0x3FB8] =	sst s0;
	s0 =	simm.s32 @!p1 $0x0  }
0x14: {  	s2 =	sld [smem:$0x3F9C];
	s0 =	simm.s32 @p1 $0x1  }
0x15: {  	[smem:$0x3FB9] =	sst s0;
	s0 =	simm.s32 @!p2 $0x0  }
0x16: {  	s3 =	sld [smem:$0x3FDB];
	s0 =	simm.s32 @p2 $0x1  }
0x17: {  	s4 =	simm.s32 $0x1BF5;
	[smem:$0x3FBB] =	sst s0  }
0x18: {  	s0 =	sld [smem:$0x3F9E];
	_ =	swait.ge [sflag:s4], $0x0  }
0x19: {  	s7 =	sld [smem:$0x3F9F]  }
0x1a: {  	s8 =	sadd.s32 $0xFFFFE003, lr  }
0x1b: {  	s9 =	sadd.s32 $0xFFFFFEF7, lr;
	s5 =	simm.s32 $0xFFFFFFFF;
	p2 =	slt.u32 s8, $0xFFFFF086  }
0x1c: {  	p1 =	slt.u32 s9, $0xF7A;
	s5 =	simm.s32 @!p2 $0x0  }
0x1d: {  	s5 =	simm.s32 @p1 $0x1;
	p0 =	seq.s32 s7, s2  }
0x1e: {  	s7 =	smul.u32 @!p0 $0xF7A, s2;
	p2 =	seq.s32 @!p0 s5, $0x0  }
0x1f: {  	s9 =	smul.u32 $0xF7A, s1;
	s8 =	simm.s32 @!p0 $0x1BF5;
	p2 =	por !p2, p0  }
0x20: {  	[sflag:s8] =	ssyncset.s32 @!p0 $0xFFFFF086;
	s6 =	sadd.s32 @!p0 s3, s7;
	s7 =	simm.s32 @!p0 $0x108  }
0x21: {  	s3 =	sadd.s32 s3, s9;
	s6 =	sadd.s32 @!p0 $0x88, s6;
	s7 =	simm.s32 @p2 $0x1082  }
0x22: {  	[simem:s7], [sflag:s8] =	dma.local @!p0 [hbm:s6], $0xF7A  }
0x23: {  	s9 =	sor.u32 $0xD0000000, s2;
	s6 =	simm.s32 $0x108;
	_ =	swait.ge @!p0 [sflag:s8], $0x0  }
0x24: {  	s3 =	sadd.s32 $0x88, s3;
	s6 =	simm.s32 @!p1 $0x1082;
	[sflag:s4] =	ssyncset.s32 $0xFFFFF086  }
0x25: {  	[simem:s6], [sflag:s4] =	dma.local [hbm:s3], $0xF7A  }
0x26: {  	[smem:$0x3F9F] =	sst s1;
	(tag) =	ssettag s2;
	_ =	strace s9  }
0x27: {  	s1 =	sld [smem:$0x3FAF]  }
0x28: {  	s2 =	sld [smem:$0x3FB0]  }
0x29: {  	s4 =	sld [smem:$0x3FB2]  }
0x2a: {  	p0 =	seq.s32 s5, $0x0;
	s5 =	sld [smem:$0x3FB3]  }
0x2b: {  	s6 =	sld [smem:$0x3FB4]  }
0x2c: {  	s7 =	sld [smem:$0x3FB5]  }
0x2d: {  	s3 =	simm.s32 $0x108;
	s8 =	sld [smem:$0x3FB6]  }
0x2e: {  	s3 =	simm.s32 @!p0 $0x1082;
	s9 =	sld [smem:$0x3FB7]  }
0x2f: {  	lr =	sadd.s32 s0, s3;
	s0 =	sld [smem:$0x3FAE]  }
0x30: {  	s3 =	sld [smem:$0x3FB1]  }
0x31: {  	[smem:$0x3FBA] =	sst s10  }
0x32: {  	s10 =	sld [smem:$0x3FB8];
	_ =	sdelay $0x3  }
0x33: {  	p0 =	seq.s32 s10, $0x1;
	s10 =	sld [smem:$0x3FBA];
	_ =	sdelay $0x3  }
0x34: {  	[smem:$0x3FBA] =	sst s10  }
0x35: {  	s10 =	sld [smem:$0x3FB9];
	_ =	sdelay $0x3  }
0x36: {  	p1 =	seq.s32 s10, $0x1;
	s10 =	sld [smem:$0x3FBA];
	_ =	sdelay $0x3  }
0x37: {  	[smem:$0x3FBA] =	sst s10  }
0x38: {  	s10 =	sld [smem:$0x3FBB]  }
0x39: {  	_ = 	snop;
	(pc) =	sbr.ind lr, $3  }
0x3a: {  	_ = 	snop  }
0x3b: {  	_ = 	snop  }
0x3c: {  	p2 =	seq.s32 s10, $0x1;
	s10 =	sld [smem:$0x3FBA]  }
0x3d: {  	_ =	shalt  }
0x3e: {  	_ =	shalt  }
0x3f: {  	_ =	shalt  }
0x40: {  	_ =	shalt  }
0x41: {  	_ =	shalt  }
0x42: {  	_ =	shalt  }
0x43: {  	_ =	shalt  }
0x44: {  	_ =	shalt  }
0x45: {  	_ =	shalt  }
0x46: {  	_ =	shalt  }
0x47: {  	_ =	shalt  }
0x48: {  	_ =	shalt  }
0x49: {  	_ =	shalt  }
0x4a: {  	_ =	shalt  }
0x4b: {  	_ =	shalt  }
0x4c: {  	_ =	shalt  }
0x4d: {  	_ =	shalt  }
0x4e: {  	_ =	shalt  }
0x4f: {  	_ =	shalt  }
0x50: {  	_ =	shalt  }
0x51: {  	_ =	shalt  }
0x52: {  	_ =	shalt  }
0x53: {  	_ =	shalt  }
0x54: {  	_ =	shalt  }
0x55: {  	_ =	shalt  }
0x56: {  	_ =	shalt  }
0x57: {  	_ =	shalt  }
0x58: {  	_ =	shalt  }
0x59: {  	_ =	shalt  }
0x5a: {  	_ =	shalt  }
0x5b: {  	_ =	shalt  }
0x5c: {  	_ =	shalt  }
0x5d: {  	_ =	shalt  }
0x5e: {  	_ =	shalt  }
0x5f: {  	_ =	shalt  }
0x60: {  	_ =	shalt  }
0x61: {  	_ =	shalt  }
0x62: {  	_ =	shalt  }
0x63: {  	_ =	shalt  }
0x64: {  	_ =	shalt  }
0x65: {  	_ =	shalt  }
0x66: {  	_ =	shalt  }
0x67: {  	_ =	shalt  }
0x68: {  	_ =	shalt  }
0x69: {  	_ =	shalt  }
0x6a: {  	_ =	shalt  }
0x6b: {  	_ =	shalt  }
0x6c: {  	_ =	shalt  }
0x6d: {  	_ =	shalt  }
0x6e: {  	_ =	shalt  }
0x6f: {  	_ =	shalt  }
0x70: {  	_ =	shalt  }
0x71: {  	_ =	shalt  }
0x72: {  	_ =	shalt  }
0x73: {  	_ =	shalt  }
0x74: {  	_ =	shalt  }
0x75: {  	_ =	shalt  }
0x76: {  	_ =	shalt  }
0x77: {  	_ =	shalt  }
0x78: {  	_ =	shalt  }
0x79: {  	_ =	shalt  }
0x7a: {  	_ =	shalt  }
0x7b: {  	_ =	shalt  }
0x7c: {  	_ =	shalt  }
0x7d: {  	_ =	shalt  }
0x7e: {  	_ =	shalt  }
0x7f: {  	_ =	shalt  }
0x80: {  	_ =	shalt  }
0x81: {  	_ =	shalt  }
0x82: {  	_ =	shalt  }
0x83: {  	_ =	shalt  }
0x84: {  	_ =	shalt  }
0x85: {  	_ =	shalt  }
0x86: {  	_ =	shalt  }
0x87: {  	_ =	shalt  }
.Lfunc_end0:
.L_simem_size_0:
called_computation_lowered:
.L_overlay_start_0:
0x88: {  	s2 =	sld [smem:$0x3FD9]  }
0x89: {  	s3 =	sld [smem:$0x3FFE];
	_ =	sdelay $0x1  }
0x8a: {  	s1 =	srdreg.scid  }
0x8b: {  	s0 =	sand.u32 $0x1, s1  }
0x8c: {  	s17 =	sshll.u32 s0, $0xA;
	s2 =	sadd.s32 s3, s2  }
0x8d: {  	s2 =	sadd.s32 s2, s17  }
0x8e: {  	[smem:$0x3FC6] =	sst s2  }
0x8f: {  	_ = 	snop  }
0x90: {  	s2 =	sld [smem:$0x3FC8]  }
0x91: {  	s18 =	sld [smem:$0x3FD0];
	(tm) =	ssettm $0x1  }
0x92: {  	s4 =	sld [smem:$0x3FFB];
	_ =	sdelay $0x3  }
0x93: {  	_ =	strace s4  }
0x94: {  	s4 =	sld [smem:$0x3FFC];
	_ =	sdelay $0x3  }
0x95: {  	_ =	strace s4  }
0x96: {  	s4 =	sld [smem:$0x3FFD];
	_ =	sdelay $0x3  }
0x97: {  	_ =	strace s4  }
0x98: {  	_ =	strace $0x8FFFFFFF  }
0x99: {  	s19 =	sld [smem:$0x3FDB];
	_ =	sdelay $0x1  }
0x9a: {  	s5 =	simm.s32 $_scs_section_size  }
0x9b: {  	s6 =	simm.s32 $_size__tile_overlayer_lowered;
	s7 =	simm.s32 $_tile_overlayer_lowered  }
0x9c: {  	s22 =	simm.s32 $0x1BFF;
	s21 =	sshll.u32 s7, $0x1;
	s4 =	sadd.s32 s5, s19  }
0x9d: {  	s8 =	simm.s32 $0x0;
	s20 =	sshll.u32 s6, $0x1;
	s6 =	sadd.s32 s21, s4  }
0x9e: {  	[timem:s8], [sflag:s22] =	dma.local [hbm:s6], s20  }
0x9f: {  	_ =	swait.ge [sflag:s22], s20  }
0xa0: {  	s5 =	ssub.s32 $0x0, s20;
	[sflag:s22] =	ssyncset.done $0x0  }
0xa1: {  	[sflag:s22] =	ssyncadd.s32 s5;
	_ =	sdelay $0x1  }
0xa2: {  	s23 =	simm.s32 $0x1B8B  }
0xa3: {  	_ =	swait.ge [sflag:s23], $0x1  }
0xa4: {  	[sflag:s23] =	ssyncset.done $0x0  }
0xa5: {  	s25 =	simm.s32 $0x1B8E;
	s24 =	sld [smem:$0x3FFE];
	[sflag:s23] =	ssyncadd.s32 $0xFFFFFFFF  }
0xa6: {  	s26 =	simm.s32 $execute0_lowered;
	[smem:$0x3FD2] =	sst s25  }
0xa7: {  	s6 =	sshll.u32 s26, $0x1;
	_ =	strace $0x80000046;
	[dreg:$0x1] =	wrdreg $0xFFFFFFFF  }
0xa8: {  	s28 =	simm.s32 $_size_execute0_lowered;
	s4 =	sadd.s32 s4, s6;
	[dreg:$0x0] =	wrdreg $0x0  }
0xa9: {  	s6 =	sshll.u32 s28, $0x1;
	[dreg:$0x2] =	wrdreg s4  }
0xaa: {  	[dreg:$0x3] =	wrdreg s6  }
0xab: {  	[dreg:$0x4] =	wrdreg $0xC0  }
0xac: {  	_ =	task [dreg:s8], $0x5FFFF  }
0xad: {  	[dreg:$0x1] =	wrdreg $0xFFFFFFFF  }
0xae: {  	[dreg:$0x0] =	wrdreg $0x60  }
0xaf: {  	[dreg:$0x2] =	wrdreg s24  }
0xb0: {  	[dreg:$0x3] =	wrdreg s2  }
0xb1: {  	[dreg:$0x4] =	wrdreg s18  }
0xb2: {  	[dreg:$0x5] =	wrdreg $0x9  }
0xb3: {  	_ =	task.clear_ibuf [dreg:s8], $0x6FFFF;
	_ =	strace $0x90000046  }
0xb4: {  	s29 =	simm.s32 $0x9;
	_ =	strace $0x80000048  }
0xb5: {  	_ =	swait.ge [sflag:s29], $0x1  }
0xb6: {  	[sflag:s29] =	ssyncadd.s32 $0xFFFFFFFF  }
0xb7: {  	_ =	strace $0x90000048  }
0xb8: {  	_ =	sfence  }
0xb9: {  	s30 =	sld [smem:$0x0];
	_ =	sdelay $0x2  }
0xba: {  	s31 =	sshll.u32 s1, $0xD;
	s1 =	sshrl.u32 s1, $0x2  }
0xbb: {  	s3 =	sand.u32 $0x4000, s31;
	s1 =	sadd.s32 s1, s30  }
0xbc: {  	s0 =	sor.u32 s3, s0;
	s1 =	sshll.u32 s1, $0x11  }
0xbd: {  	s0 =	sor.u32 s1, s0  }
0xbe: {  	s0 =	sadd.s32 $0x8F2B, s0  }
0xbf: {  	[sflag:s0] =	ssyncadd.remote.s32 $0x1  }
0xc0: {  	_ =	sfence.sel $0xFFFF  }
0xc1: {  	[dreg:$0x0] =	wrdreg $0xFFFFFFFF;
	(pc) =	sbr.abs _section_cstart, $3  }
0xc2: {  	[dreg:$0x1] =	wrdreg $0xFFFFFFFF  }
0xc3: {  	_ =	task.clear_ibuf [dreg:s8], $0x2FFFF;
	_ =	strace $0x9FFFFFFF  }
0xc4: {  	(tm) =	ssettm $0x7FFFFFFF  }
0xc5: {  	_ =	shalt  }
tec
execute0_lowered:
.L_overlay_start_1:
0x0: {  	(tag) =	ssettag $0x1  }
0x1: {  	s0 =	srdreg.scid  }
0x2: {  	s7 =	sand.u32 $0x1, s0;
	s0 =	stileid.u32  }
0x3: {  	s4 =	sshll.u32 s0, $0x1;
	s5 =	ssub.s32 $0x0, s7  }
0x4: {  	p0 =	sne.s32 s4, s5  }
.Ltmp0:
0x5: {  	_ = 	snop;
	(pc) =	sbr.rel @p0 .LBB2_4-.Ltmp0, $4  }
0x6: {  	s6 =	rddreg [dreg:$0x0]  }
0x7: {  	s3 =	rddreg [dreg:$0x1]  }
0x8: {  	s2 =	rddreg [dreg:$0x2]  }
0x9: {  	s1 =	rddreg [dreg:$0x3];
	_ =	strace $0x80000047  }
0xa: {  	s5 =	simm.s32 $0x0;
	s4 =	simm.s32 $0x2  }
0xb: {  	[tilespmem:s5], [sflag:$0x2] =	stream.linear.gather [hbm4b:s3+s5], $0x80, $0x38;
	[tilespmem:$0x180] =	vst v63  }
0xc: {  	_ =	swait.ge [sflag:s4], $0x80  }
0xd: {  	[sflag:s4] =	ssyncset.done $0x0  }
0xe: {  	[sflag:s4] =	ssyncadd.s32 $0xFFFFFF80  }
0xf: {  	v2 =	vld [tilespmem:$0x50]  }
0x10: {  	v3 =	vld [tilespmem:$0x30]  }
0x11: {  	v0 =	vlaneseq.u32;
	v4 =	vld [tilespmem:$0x20]  }
0x12: {  	s7 =	ssub.s32 $0x2, s7;
	v0 =	vmul.u32 $0x80, v0;
	v5 =	vld [tilespmem:$0x10]  }
0x13: {  	s8 =	sshrl.u32 s7, $0x1;
	v6 =	vld [tilespmem:$0x40]  }
0x14: {  	s7 =	ssub.s32 s7, s8;
	v1 =	vor.u32 $0x2800, v0;
	v7 =	vld [tilespmem:$0x0];
	v8 =	vand.u32 $0x7F, v2  }
0x15: {  	s10 =	smax.u32 s7, $0x1;
	v10 =	vld [tilespmem:$0x60];
	v2 =	vor.u32 $0x1800, v0;
	v9 =	vand.u32 $0x7F, v3;
	v8 =	vor.u32 v1, v8  }
0x16: {  	p0 =	sne.s32 s10, $0x1;
	v12 =	vld [tilespmem:$0x70];
	v3 =	vor.u32 $0x1000, v0;
	v11 =	vand.u32 $0x7F, v4;
	v9 =	vor.u32 v2, v9;
	[tilespmem:$0xD0] =	vst v8  }
.Ltmp1:
0x17: {  	v4 =	vor.u32 $0x800, v0;
	v11 =	vor.u32 v3, v11;
	v8 =	vand.u32 $0x7F, v5;
	[tilespmem:$0xB0] =	vst v9;
	(pc) =	sbr.rel @!p0 .LBB2_3-.Ltmp1, $4  }
0x18: {  	v6 =	vand.u32 $0x7F, v6;
	v5 =	vor.u32 $0x2000, v0;
	[tilespmem:$0xA0] =	vst v11;
	v8 =	vor.u32 v4, v8  }
0x19: {  	v7 =	vand.u32 $0x7F, v7;
	[tilespmem:$0x90] =	vst v8;
	v8 =	vor.u32 v5, v6  }
0x1a: {  	s6 =	sadd.s32 $0x187A00, s6;
	s9 =	simm.s32 $0x1;
	v9 =	vor.u32 v0, v7;
	v6 =	vor.u32 $0x3000, v0;
	[tilespmem:$0xC0] =	vst v8;
	v8 =	vand.u32 $0x7F, v10  }
0x1b: {  	s8 =	simm.s32 $0x100;
	s7 =	simm.s32 $0x80;
	s10 =	sadd.s32 $0xFFFFFFFF, s10;
	v7 =	vor.u32 $0x3800, v0;
	[tilespmem:$0x80] =	vst v9;
	v9 =	vand.u32 $0x7F, v12;
	v8 =	vor.u32 v6, v8  }
.LBB2_2:
0x1c: {  	p0 =	sne.s32 s10, $0x1;
	s10 =	sadd.s32 $0xFFFFFFFF, s10;
	[tilespmem:$0xE0] =	vst v8;
	v8 =	vor.u32 v7, v9  }
0x1d: {  	[tilespmem:$0xF0] =	vst v8  }
0x1e: {  	[tilespmem:s8], [sflag:$0x1] =	stream.indirect.gather [hbm4b:s6+s7], $0x1, s7, s7, $0xb8;
	[tilespmem:$0x180] =	vst v63  }
0x1f: {  	_ =	swait.ge [sflag:s9], $0x80  }
0x20: {  	[sflag:s9] =	ssyncset.done $0x0  }
0x21: {  	[sflag:s9] =	ssyncadd.s32 $0xFFFFFF80  }
0x22: {  	[hbm4b:s2+s5] =	stream.linear.scatter [tilespmem:s8], [sflag:$0x2], $0x80, $0x38;
	[tilespmem:$0x180] =	vst v63  }
0x23: {  	_ =	swait.ge [sflag:s4], $0x80  }
0x24: {  	[sflag:s4] =	ssyncset.done $0x0  }
0x25: {  	[sflag:s4] =	ssyncadd.s32 $0xFFFFFF80  }
0x26: {  	[tilespmem:s5], [sflag:$0x2] =	stream.linear.gather [hbm4b:s3+s5], $0x80, $0x38;
	[tilespmem:$0x180] =	vst v63  }
0x27: {  	_ =	swait.ge [sflag:s4], $0x80  }
0x28: {  	[sflag:s4] =	ssyncset.done $0x0  }
0x29: {  	[sflag:s4] =	ssyncadd.s32 $0xFFFFFF80  }
0x2a: {  	v8 =	vld [tilespmem:$0x50]  }
0x2b: {  	v9 =	vld [tilespmem:$0x30]  }
0x2c: {  	v10 =	vld [tilespmem:$0x20]  }
0x2d: {  	v11 =	vld [tilespmem:$0x10]  }
0x2e: {  	v12 =	vld [tilespmem:$0x40]  }
0x2f: {  	v13 =	vld [tilespmem:$0x0];
	v8 =	vand.u32 $0x7F, v8  }
0x30: {  	v9 =	vand.u32 $0x7F, v9;
	v8 =	vor.u32 v1, v8;
	v14 =	vld [tilespmem:$0x60]  }
0x31: {  	v10 =	vand.u32 $0x7F, v10;
	v9 =	vor.u32 v2, v9;
	[tilespmem:$0xD0] =	vst v8;
	v15 =	vld [tilespmem:$0x70]  }
.Ltmp2:
0x32: {  	v8 =	vand.u32 $0x7F, v11;
	v10 =	vor.u32 v3, v10;
	[tilespmem:$0xB0] =	vst v9;
	(pc) =	sbr.rel @p0 .LBB2_2-.Ltmp2, $4  }
0x33: {  	v8 =	vor.u32 v4, v8;
	[tilespmem:$0xA0] =	vst v10;
	v9 =	vand.u32 $0x7F, v12  }
0x34: {  	v10 =	vand.u32 $0x7F, v13;
	[tilespmem:$0x90] =	vst v8;
	v8 =	vor.u32 v5, v9  }
0x35: {  	v9 =	vor.u32 v0, v10;
	[tilespmem:$0xC0] =	vst v8;
	v8 =	vand.u32 $0x7F, v14  }
0x36: {  	[tilespmem:$0x80] =	vst v9;
	v8 =	vor.u32 v6, v8;
	v9 =	vand.u32 $0x7F, v15  }
.LBB2_3:
0x37: {  	[tilespmem:$0xE0] =	vst v8;
	v0 =	vor.u32 v7, v9  }
0x38: {  	[tilespmem:$0xF0] =	vst v0  }
0x39: {  	[tilespmem:s8], [sflag:$0x1] =	stream.indirect.gather [hbm4b:s6+s7], $0x1, s7, s7, $0xb8;
	[tilespmem:$0x180] =	vst v63  }
0x3a: {  	_ =	swait.ge [sflag:s9], $0x80  }
0x3b: {  	[sflag:s9] =	ssyncset.done $0x0  }
0x3c: {  	[sflag:s9] =	ssyncadd.s32 $0xFFFFFF80  }
0x3d: {  	[hbm4b:s2+s5] =	stream.linear.scatter [tilespmem:s8], [sflag:$0x2], $0x80, $0x38;
	[tilespmem:$0x180] =	vst v63  }
0x3e: {  	_ =	swait.ge [sflag:s4], $0x80  }
0x3f: {  	[sflag:s4] =	ssyncset.done $0x0  }
0x40: {  	[sflag:s4] =	ssyncadd.s32 $0xFFFFFF80  }
.LBB2_4:
0x41: {  	_ =	sfence.sel $0x180000  }
0x42: {  	[bflag:$0x0] =	sbarrier.arrive $0xFFFF  }
0x43: {  	p0 =	sne.s32 s0, $0x0;
	_ =	strace $0x90000047  }
0x44: {  	s0 =	sadd.s32 @!p0 $0x100000, s1;
	[bflag:$0x2] =	sbarrier.arrive $0xFFFF  }
0x45: {  	[sflag:s0] =	ssyncadd.tile.s32 @!p0 $0x1;
	_ =	shalt  }
.Lfunc_end2:
_tile_overlayer_lowered:
.L_overlay_start_2:
0x46: {  	(tag) =	ssettag $0x2  }
0x47: {  	s0 =	rddreg [dreg:$0x0];
	s2 =	stileid.u32  }
0x48: {  	s1 =	rddreg [dreg:$0x1];
	p0 =	sne.s32 s2, $0x0  }
0x49: {  	s3 =	rddreg [dreg:$0x2];
	[bflag:$0x3] =	sbarrier.arrive $0xFFFF;
	s2 =	simm.s32 @!p0 $0x1C02  }
0x4a: {  	[timem:s3], [sflag:s2] =	dma.local @!p0 [hbm:s0], s1  }
0x4b: {  	s0 =	simm.s32 @!p0 $0x2  }
0x4c: {  	_ =	swait.ge @!p0 [sflag:s0], s1  }
0x4d: {  	s1 =	ssub.s32 @!p0 $0x0, s1;
	[sflag:s0] =	ssyncset.done @!p0 $0x0  }
0x4e: {  	[sflag:s0] =	ssyncadd.s32 @!p0 s1  }
0x4f: {  	[bflag:$0x3] =	sbarrier.arrive $0xFFFF  }
0x50: {  	_ =	shalt  }

</sc_bundles>
